<compile_context>
chip_gen: v7x
topology: tpu7x:2x2x1
jax: 0.10.2.dev20260603
libtpu: 0.0.44.dev20260713+nightly
codegen_flags: <defaults>
</compile_context>

<pallas_src>
import functools

import jax
import jax.numpy as jnp
from jax import lax
from jax.experimental import pallas as pl
from jax.experimental.pallas import tpu as pltpu
from jax.experimental.pallas import tpu_sc as plsc

_M = 16384
_D = 64
_KP = 8192
_KS = 1024
_B = 16
_N = 1024
_CC = 0.25
_RT = 512
_KT = 4096
_STRIP = 4096
_NW = 32


def _vq1_body(x_ref, w_ref, idx_ref, mind_ref):
    x = x_ref[...]
    q = x * x
    g = q[:, 0:8]
    for t in range(1, 8):
        g = g + q[:, 8 * t:8 * t + 8]
    h2 = g[:, 0:4] + g[:, 4:8]
    i2 = h2[:, 0:2] + h2[:, 2:4]
    x2 = i2[:, 0:1] + i2[:, 1:2]
    xb = (2.0 * x).astype(jnp.bfloat16).astype(jnp.float32)
    ones_row = jnp.ones((1, _D), jnp.float32)
    iota_k = lax.broadcasted_iota(jnp.int32, (_RT, _KT), 1)

    def sub_step(j, carry):
        sv, si = carry
        wk = w_ref[pl.ds(j * _KT, _KT), :]
        xw2 = lax.dot_general(xb, wk, (((1,), (1,)), ((), ())),
                              preferred_element_type=jnp.float32)
        w2 = lax.dot_general(ones_row, wk * wk, (((1,), (1,)), ((), ())),
                             preferred_element_type=jnp.float32)
        d = (x2 + w2) - xw2
        lm = jnp.min(d, axis=1, keepdims=True)
        li = jnp.min(jnp.where(d == lm, iota_k, _KT), axis=1, keepdims=True)
        pred = lm < sv
        return (jnp.where(pred, lm, sv),
                jnp.where(pred, li + j * _KT, si))

    def strip_step(c, carry):
        bv, bi, be = carry
        sv0 = jnp.full((_RT, 1), jnp.inf, jnp.float32)
        si0 = jnp.zeros((_RT, 1), jnp.int32)
        n_sub = _STRIP // _KT
        sv, si = lax.fori_loop(c * n_sub, (c + 1) * n_sub, sub_step,
                               (sv0, si0))
        pred = sv < bv
        bv = jnp.where(pred, sv, bv).astype(jnp.bfloat16).astype(jnp.float32)
        return (bv, jnp.where(pred, si, bi), jnp.where(pred, sv, be))

    bv0 = jnp.full((_RT, 1), jnp.inf, jnp.float32)
    bi0 = jnp.zeros((_RT, 1), jnp.int32)
    be0 = jnp.full((_RT, 1), jnp.inf, jnp.float32)
    _, bi, be = lax.fori_loop(0, _KP // _STRIP, strip_step, (bv0, bi0, be0))
    idx_ref[...] = bi
    mind_ref[...] = be


def _head_body(hist_ref, mind_ref, w1_ref, b1_ref, g1_ref, bb1_ref,
               w2_ref, b2_ref, g2_ref, bb2_ref, sw_ref,
               sq_ref, loss_ref, sidx_ref):
    hist = hist_ref[...]
    pd = (hist[:, :_KP] + hist[:, _KP:]) * (1.0 / _N)
    h = lax.dot_general(pd, w1_ref[...], (((1,), (0,)), ((), ())),
                        preferred_element_type=jnp.float32) + b1_ref[...]

    def ln(v, g, b):
        mu = jnp.mean(v, axis=-1, keepdims=True)
        var = jnp.mean((v - mu) ** 2, axis=-1, keepdims=True)
        return (v - mu) / jnp.sqrt(var + 1e-5) * g + b

    h = ln(h, g1_ref[...], bb1_ref[...])
    h = jnp.maximum(h, 0.0)
    h = lax.dot_general(h, w2_ref[...], (((1,), (0,)), ((), ())),
                        preferred_element_type=jnp.float32) + b2_ref[...]
    s = ln(h, g2_ref[...], bb2_ref[...])

    sw = sw_ref[...]
    s2 = jnp.sum(s * s, axis=1, keepdims=True)
    ones_row = jnp.ones((1, _D), jnp.float32)
    sw2 = lax.dot_general(ones_row, sw * sw, (((1,), (1,)), ((), ())),
                          preferred_element_type=jnp.float32)
    ssw = lax.dot_general(s, sw, (((1,), (1,)), ((), ())),
                          preferred_element_type=jnp.float32)
    d2 = (s2 + sw2) - 2.0 * ssw
    m2 = jnp.min(d2, axis=1, keepdims=True)
    iota_s = lax.broadcasted_iota(jnp.int32, (_B, _KS), 1)
    si = jnp.min(jnp.where(d2 == m2, iota_s, _KS), axis=1, keepdims=True)
    oh = (iota_s == si).astype(jnp.float32)
    q2 = lax.dot_general(oh, sw, (((1,), (0,)), ((), ())),
                         preferred_element_type=jnp.float32)

    diff = q2 - s
    msq = jnp.sum(diff * diff) * (1.0 / (_B * _D))
    state_loss = msq + _CC * msq
    pm = jnp.sum(mind_ref[...]) * (1.0 / (_M * _D))
    patch_loss = pm + _CC * pm
    total = patch_loss + state_loss

    sq_ref[...] = s + (q2 - s)
    loss_ref[...] = jnp.reshape(total, (1, 1))
    sidx_ref[...] = si


def _sc_body(x_hbm, w_hbm, idx_hbm, outq_hbm, hist_hbm,
             idx_v, q_v, x_v, hist_v, sem):
    wid = lax.axis_index("s") * 2 + lax.axis_index("c")
    base = wid * _RT
    pltpu.sync_copy(idx_hbm.at[wid], idx_v)
    for j in range(4):
        pltpu.async_copy(w_hbm.at[idx_v.at[j]],
                         q_v.at[pl.ds(j * 128, 128)], sem).wait()
    pltpu.sync_copy(x_hbm.at[pl.ds(base, _RT)], x_v)

    def rowfn(r, carry):
        for c in range(_D // 16):
            sl = pl.ds(c * 16, 16)
            xx = x_v[r, sl]
            q_v[r, sl] = xx + (q_v[r, sl] - xx)
        return carry

    lax.fori_loop(0, _RT, rowfn, 0)

    zero16 = jnp.zeros((16,), jnp.float32)

    def zfn(i, carry):
        hist_v[pl.ds(i * 16, 16)] = zero16
        return carry

    lax.fori_loop(0, _KP // 16, zfn, 0)

    ones16 = jnp.ones((16,), jnp.float32)
    lanes = lax.iota(jnp.int32, 16)

    def hfn(t, carry):
        ivec = idx_v[t // 8, pl.ds((t % 8) * 16, 16)]
        for l in range(16):
            plsc.addupdate_scatter(hist_v, [ivec], ones16,
                                   mask=lanes == l)
        return carry

    lax.fori_loop(0, _NW, hfn, 0)

    pltpu.sync_copy(q_v, outq_hbm.at[pl.ds(base, _RT)])
    pltpu.sync_copy(hist_v, hist_hbm.at[wid])


@functools.cache
def _sc_gather_hist():
    mesh = plsc.VectorSubcoreMesh(core_axis_name="c", subcore_axis_name="s")
    return pl.kernel(
        _sc_body,
        mesh=mesh,
        out_type=(jax.ShapeDtypeStruct((_M, _D), jnp.float32),
                  jax.ShapeDtypeStruct((_NW, _KP), jnp.float32)),
        scratch_types=(pltpu.VMEM((4, 128), jnp.int32),
                       pltpu.VMEM((_RT, _D), jnp.float32),
                       pltpu.VMEM((_RT, _D), jnp.float32),
                       pltpu.VMEM((_KP,), jnp.float32),
                       pltpu.SemaphoreType.DMA),
        compiler_params=pltpu.CompilerParams(needs_layout_passes=False,
                                             use_tc_tiling_on_sc=False),
    )


def _vq1_call(flat, w):
    return pl.pallas_call(
        _vq1_body,
        grid=(_M // _RT,),
        in_specs=[pl.BlockSpec((_RT, _D), lambda i: (i, 0)),
                  pl.BlockSpec((_KP, _D), lambda i: (0, 0))],
        out_specs=[pl.BlockSpec((_RT, 1), lambda i: (i, 0)),
                   pl.BlockSpec((_RT, 1), lambda i: (i, 0))],
        out_shape=[jax.ShapeDtypeStruct((_M, 1), jnp.int32),
                   jax.ShapeDtypeStruct((_M, 1), jnp.float32)],
    )(flat, w)


def _head_call(hist16, mind, w1, b1, g1, bb1, w2, b2, g2, bb2, sw):
    return pl.pallas_call(
        _head_body,
        out_shape=[jax.ShapeDtypeStruct((_B, _D), jnp.float32),
                   jax.ShapeDtypeStruct((1, 1), jnp.float32),
                   jax.ShapeDtypeStruct((_B, 1), jnp.int32)],
    )(hist16, mind, w1, b1, g1, bb1, w2, b2, g2, bb2, sw)


def kernel(patch_embeddings, patch_embed_w, state_embed_w, W1, b1,
           ln1_g, ln1_b, W2, b2, ln2_g, ln2_b):
    flat = patch_embeddings.reshape(_M, _D)
    idx_col, mind_col = _vq1_call(flat, patch_embed_w)
    patch_indices = idx_col.reshape(_B, _N)
    idx_sc = idx_col.reshape(_NW, 4, 128)
    patch_q_flat, hist = _sc_gather_hist()(flat, patch_embed_w, idx_sc)
    patch_quantized = patch_q_flat.reshape(_B, _N, _D)
    sq, loss11, sidx = _head_call(
        hist.reshape(_B, 2 * _KP), mind_col.reshape(128, 128),
        W1, b1.reshape(1, _D), ln1_g.reshape(1, _D), ln1_b.reshape(1, _D),
        W2, b2.reshape(1, _D), ln2_g.reshape(1, _D), ln2_b.reshape(1, _D),
        state_embed_w)
    return (patch_quantized, sq, loss11.reshape(()), patch_indices,
            sidx.reshape(_B))

# --- scband reference (transcript-rebuilt; emitter-appended) ---
"""Pipeline reference for scband-hierarchical-vq-26551487824081 (READ-ONLY COPY).

The authoritative reference and input builder live on the scoring server;
editing this copy changes nothing except your own understanding.
"""

import jax, jax.numpy as jnp
import numpy as np

PATCH_K = 8192
STATE_K = 1024
D = 64
B = 16
N = 1024
CC = 0.25


def _layer_norm(x, g, b, eps=1e-5):
    mu = jnp.mean(x, axis=-1, keepdims=True)
    var = jnp.mean((x - mu) ** 2, axis=-1, keepdims=True)
    return (x - mu) / jnp.sqrt(var + eps) * g + b


def _vq(flat_input, embed_w, commitment_cost):
    distances = (jnp.sum(flat_input ** 2, axis=1, keepdims=True)
                 + jnp.sum(embed_w ** 2, axis=1)
                 - 2.0 * flat_input @ embed_w.T)
    encoding_indices = jnp.argmin(distances, axis=1)
    quantized = jnp.take(embed_w, encoding_indices, axis=0)
    e_latent_loss = jnp.mean((jax.lax.stop_gradient(quantized) - flat_input) ** 2)
    q_latent_loss = jnp.mean((quantized - jax.lax.stop_gradient(flat_input)) ** 2)
    loss = q_latent_loss + commitment_cost * e_latent_loss
    quantized = flat_input + jax.lax.stop_gradient(quantized - flat_input)
    return quantized, loss, encoding_indices


def setup_inputs(seed: int = 0) -> dict:
    key = jax.random.key(seed)
    ks = jax.random.split(key, 8)
    patch_embeddings = jax.random.normal(ks[0], (B, N, D), dtype=jnp.float32)
    patch_embed_w = jax.random.uniform(ks[1], (PATCH_K, D), minval=-1.0 / PATCH_K, maxval=1.0 / PATCH_K, dtype=jnp.float32)
    state_embed_w = jax.random.uniform(ks[2], (STATE_K, D), minval=-1.0 / STATE_K, maxval=1.0 / STATE_K, dtype=jnp.float32)
    W1 = jax.random.normal(ks[3], (PATCH_K, D), dtype=jnp.float32) * (1.0 / np.sqrt(PATCH_K))
    b1 = jnp.zeros((D,), dtype=jnp.float32)
    ln1_g = jnp.ones((D,), dtype=jnp.float32)
    ln1_b = jnp.zeros((D,), dtype=jnp.float32)
    W2 = jax.random.normal(ks[4], (D, D), dtype=jnp.float32) * (1.0 / np.sqrt(D))
    b2 = jnp.zeros((D,), dtype=jnp.float32)
    ln2_g = jnp.ones((D,), dtype=jnp.float32)
    ln2_b = jnp.zeros((D,), dtype=jnp.float32)
    return {"patch_embeddings": patch_embeddings, "patch_embed_w": patch_embed_w,
            "state_embed_w": state_embed_w, "W1": W1, "b1": b1,
            "ln1_g": ln1_g, "ln1_b": ln1_b, "W2": W2, "b2": b2,
            "ln2_g": ln2_g, "ln2_b": ln2_b}


def reference(patch_embeddings, patch_embed_w, state_embed_w, W1, b1, ln1_g, ln1_b, W2, b2, ln2_g, ln2_b):
    B_, N_, D_ = patch_embeddings.shape
    flat_patches = patch_embeddings.reshape(-1, D_)
    patch_quantized, patch_loss, patch_indices = _vq(flat_patches, patch_embed_w, CC)
    patch_quantized = patch_quantized.reshape(B_, N_, D_)
    patch_indices = patch_indices.reshape(B_, N_)
    patch_dist = jax.nn.one_hot(patch_indices, PATCH_K, dtype=jnp.float32).mean(axis=1)
    h = patch_dist @ W1 + b1
    h = _layer_norm(h, ln1_g, ln1_b)
    h = jax.nn.relu(h)
    h = h @ W2 + b2
    state_embeddings = _layer_norm(h, ln2_g, ln2_b)
    state_quantized, state_loss, state_indices = _vq(state_embeddings, state_embed_w, CC)
    total_loss = patch_loss + state_loss
    return (patch_quantized, state_quantized, total_loss, patch_indices, state_indices)

if __name__ == "__main__":
    import jax
    _d = setup_inputs()
    print(jax.jit(kernel)(*tuple(_d.values())))

</pallas_src>

<mosaic_0001>
#map = affine_map<(d0, d1) -> (0, 0)>
#map1 = affine_map<(d0, d1) -> (0, 0, 0)>
module attributes {stable_mosaic.version = 14 : i64} {
  func.func @_sc_body(%arg0: i32, %arg1: i32, %arg2: memref<16384x64xf32, #tpu.memory_space<hbm>>, %arg3: memref<8192x64xf32, #tpu.memory_space<hbm>>, %arg4: memref<32x4x128xi32, #tpu.memory_space<hbm>>, %arg5: memref<16384x64xf32, #tpu.memory_space<hbm>>, %arg6: memref<32x8192xf32, #tpu.memory_space<hbm>>, %arg7: memref<4x128xi32, #tpu.memory_space<vmem>>, %arg8: memref<512x64xf32, #tpu.memory_space<vmem>>, %arg9: memref<512x64xf32, #tpu.memory_space<vmem>>, %arg10: memref<8192xf32, #tpu.memory_space<vmem>>, %arg11: memref<!tpu.dma_semaphore, #tpu.memory_space<semaphore_mem>>) attributes {dimension_semantics = [#tpu.dimension_semantics<core_parallel>, #tpu.dimension_semantics<subcore_parallel>], iteration_bounds = array<i64: 2, 16>, scalar_prefetch = 0 : i64, scratch_operands = 5 : i64, tpu.core_type = #tpu.core_type<sc_vector_subcore>, window_params = [{transform_indices = #map}, {transform_indices = #map}, {transform_indices = #map1}, {transform_indices = #map}, {transform_indices = #map}]} {
    %mul3A = arith.constant 2 : i32
    %mul3A_0 = arith.muli %arg1, %mul3A : i32
    %add3A = arith.addi %mul3A_0, %arg0 : i32
    %mul3A_1 = arith.constant 512 : i32
    %mul3A_2 = arith.muli %add3A, %mul3A_1 : i32
    "tpu.region"() ({
      %run_scoped3A = tpu.sem_alloc : memref<!tpu.dma_semaphore, #tpu.memory_space<semaphore_mem>>
      %dma_start3A_101 = arith.constant 0 : i32
      %dma_start3A_102 = arith.constant 0 : i32
      %dma_start3A_103 = tpu.memref_slice %arg4[%add3A, %dma_start3A_101, %dma_start3A_102] : memref<32x4x128xi32, #tpu.memory_space<hbm>> -> memref<1x4x128xi32, #tpu.memory_space<hbm>>
      %dma_start3A_104 = tpu.memref_squeeze %dma_start3A_103 : memref<1x4x128xi32, #tpu.memory_space<hbm>> -> memref<4x128xi32, #tpu.memory_space<hbm>>
      %dma_start3A_105 = arith.constant 0 : i32
      %dma_start3A_106 = arith.constant 0 : i32
      %dma_start3A_107 = tpu.memref_slice %arg4[%add3A, %dma_start3A_105, %dma_start3A_106] : memref<32x4x128xi32, #tpu.memory_space<hbm>> -> memref<1x4x128xi32, #tpu.memory_space<hbm>>
      %dma_start3A_108 = tpu.memref_squeeze %dma_start3A_107 : memref<1x4x128xi32, #tpu.memory_space<hbm>> -> memref<4x128xi32, #tpu.memory_space<hbm>>
      tpu.enqueue_dma source(%dma_start3A_108 : memref<4x128xi32, #tpu.memory_space<hbm>>) target(%arg7 : memref<4x128xi32, #tpu.memory_space<vmem>>) target_semaphore(%run_scoped3A : memref<!tpu.dma_semaphore, #tpu.memory_space<semaphore_mem>>)
      %dma_wait3A_109 = arith.constant 0 : i32
      %dma_wait3A_110 = arith.constant 0 : i32
      %dma_wait3A_111 = tpu.memref_slice %arg4[%add3A, %dma_wait3A_109, %dma_wait3A_110] : memref<32x4x128xi32, #tpu.memory_space<hbm>> -> memref<1x4x128xi32, #tpu.memory_space<hbm>>
      %dma_wait3A_112 = tpu.memref_squeeze %dma_wait3A_111 : memref<1x4x128xi32, #tpu.memory_space<hbm>> -> memref<4x128xi32, #tpu.memory_space<hbm>>
      %dma_wait3A_113 = arith.constant 0 : i32
      %dma_wait3A_114 = arith.constant 0 : i32
      %dma_wait3A_115 = tpu.memref_slice %arg4[%add3A, %dma_wait3A_113, %dma_wait3A_114] : memref<32x4x128xi32, #tpu.memory_space<hbm>> -> memref<1x4x128xi32, #tpu.memory_space<hbm>>
      %dma_wait3A_116 = tpu.memref_squeeze %dma_wait3A_115 : memref<1x4x128xi32, #tpu.memory_space<hbm>> -> memref<4x128xi32, #tpu.memory_space<hbm>>
      tpu.wait_dma2 semaphore(%run_scoped3A : memref<!tpu.dma_semaphore, #tpu.memory_space<semaphore_mem>>) src(%dma_wait3A_116 : memref<4x128xi32, #tpu.memory_space<hbm>>) dst(%arg7 : memref<4x128xi32, #tpu.memory_space<vmem>>)
      tpu.yield
    }) : () -> ()
    %dma_start3A = arith.constant 0 : i32
    %dma_start3A_3 = arith.constant 0 : i32
    %dma_start3A_4 = arith.constant 0 : i32
    %dma_start3A_5 = tpu.memref_slice %arg8[%dma_start3A_3, %dma_start3A_4] : memref<512x64xf32, #tpu.memory_space<vmem>> -> memref<128x64xf32, #tpu.memory_space<vmem>>
    %dma_start3A_6 = arith.constant 0 : i32
    %dma_start3A_7 = tpu.memref_slice %arg7[%dma_start3A, %dma_start3A_6] : memref<4x128xi32, #tpu.memory_space<vmem>> -> memref<1x128xi32, #tpu.memory_space<vmem>>
    %dma_start3A_8 = tpu.memref_squeeze %dma_start3A_7 : memref<1x128xi32, #tpu.memory_space<vmem>> -> memref<128xi32, #tpu.memory_space<vmem>>
    %dma_start3A_9 = arith.constant 0 : i32
    %dma_start3A_10 = arith.constant 0 : i32
    %dma_start3A_11 = tpu.memref_slice %arg3[%dma_start3A_9, %dma_start3A_10] : memref<8192x64xf32, #tpu.memory_space<hbm>> -> memref<8192x64xf32, #tpu.memory_space<hbm>>
    tpu.enqueue_indirect_dma source(%dma_start3A_11 : memref<8192x64xf32, #tpu.memory_space<hbm>>) target(%dma_start3A_5 : memref<128x64xf32, #tpu.memory_space<vmem>>) offsets(%dma_start3A_8 : memref<128xi32, #tpu.memory_space<vmem>>) semaphore(%arg11 : memref<!tpu.dma_semaphore, #tpu.memory_space<semaphore_mem>>)
    %dma_wait3A = arith.constant 0 : i32
    %dma_wait3A_12 = arith.constant 0 : i32
    %dma_wait3A_13 = arith.constant 0 : i32
    %dma_wait3A_14 = tpu.memref_slice %arg8[%dma_wait3A_12, %dma_wait3A_13] : memref<512x64xf32, #tpu.memory_space<vmem>> -> memref<128x64xf32, #tpu.memory_space<vmem>>
    %dma_wait3A_15 = arith.constant 0 : i32
    %dma_wait3A_16 = tpu.memref_slice %arg7[%dma_wait3A, %dma_wait3A_15] : memref<4x128xi32, #tpu.memory_space<vmem>> -> memref<1x128xi32, #tpu.memory_space<vmem>>
    %dma_wait3A_17 = tpu.memref_squeeze %dma_wait3A_16 : memref<1x128xi32, #tpu.memory_space<vmem>> -> memref<128xi32, #tpu.memory_space<vmem>>
    %dma_wait3A_18 = arith.constant 0 : i32
    %dma_wait3A_19 = arith.constant 0 : i32
    %dma_wait3A_20 = tpu.memref_slice %arg3[%dma_wait3A_18, %dma_wait3A_19] : memref<8192x64xf32, #tpu.memory_space<hbm>> -> memref<8192x64xf32, #tpu.memory_space<hbm>>
    tpu.wait_indirect_dma semaphore(%arg11 : memref<!tpu.dma_semaphore, #tpu.memory_space<semaphore_mem>>) src(%dma_wait3A_20 : memref<8192x64xf32, #tpu.memory_space<hbm>>) dst(%dma_wait3A_14 : memref<128x64xf32, #tpu.memory_space<vmem>>)
    %dma_start3A_21 = arith.constant 1 : i32
    %dma_start3A_22 = arith.constant 128 : i32
    %dma_start3A_23 = arith.constant 0 : i32
    %dma_start3A_24 = tpu.memref_slice %arg8[%dma_start3A_22, %dma_start3A_23] : memref<512x64xf32, #tpu.memory_space<vmem>> -> memref<128x64xf32, #tpu.memory_space<vmem>>
    %dma_start3A_25 = arith.constant 0 : i32
    %dma_start3A_26 = tpu.memref_slice %arg7[%dma_start3A_21, %dma_start3A_25] : memref<4x128xi32, #tpu.memory_space<vmem>> -> memref<1x128xi32, #tpu.memory_space<vmem>>
    %dma_start3A_27 = tpu.memref_squeeze %dma_start3A_26 : memref<1x128xi32, #tpu.memory_space<vmem>> -> memref<128xi32, #tpu.memory_space<vmem>>
    %dma_start3A_28 = arith.constant 0 : i32
    %dma_start3A_29 = arith.constant 0 : i32
    %dma_start3A_30 = tpu.memref_slice %arg3[%dma_start3A_28, %dma_start3A_29] : memref<8192x64xf32, #tpu.memory_space<hbm>> -> memref<8192x64xf32, #tpu.memory_space<hbm>>
    tpu.enqueue_indirect_dma source(%dma_start3A_30 : memref<8192x64xf32, #tpu.memory_space<hbm>>) target(%dma_start3A_24 : memref<128x64xf32, #tpu.memory_space<vmem>>) offsets(%dma_start3A_27 : memref<128xi32, #tpu.memory_space<vmem>>) semaphore(%arg11 : memref<!tpu.dma_semaphore, #tpu.memory_space<semaphore_mem>>)
    %dma_wait3A_31 = arith.constant 1 : i32
    %dma_wait3A_32 = arith.constant 128 : i32
    %dma_wait3A_33 = arith.constant 0 : i32
    %dma_wait3A_34 = tpu.memref_slice %arg8[%dma_wait3A_32, %dma_wait3A_33] : memref<512x64xf32, #tpu.memory_space<vmem>> -> memref<128x64xf32, #tpu.memory_space<vmem>>
    %dma_wait3A_35 = arith.constant 0 : i32
    %dma_wait3A_36 = tpu.memref_slice %arg7[%dma_wait3A_31, %dma_wait3A_35] : memref<4x128xi32, #tpu.memory_space<vmem>> -> memref<1x128xi32, #tpu.memory_space<vmem>>
    %dma_wait3A_37 = tpu.memref_squeeze %dma_wait3A_36 : memref<1x128xi32, #tpu.memory_space<vmem>> -> memref<128xi32, #tpu.memory_space<vmem>>
    %dma_wait3A_38 = arith.constant 0 : i32
    %dma_wait3A_39 = arith.constant 0 : i32
    %dma_wait3A_40 = tpu.memref_slice %arg3[%dma_wait3A_38, %dma_wait3A_39] : memref<8192x64xf32, #tpu.memory_space<hbm>> -> memref<8192x64xf32, #tpu.memory_space<hbm>>
    tpu.wait_indirect_dma semaphore(%arg11 : memref<!tpu.dma_semaphore, #tpu.memory_space<semaphore_mem>>) src(%dma_wait3A_40 : memref<8192x64xf32, #tpu.memory_space<hbm>>) dst(%dma_wait3A_34 : memref<128x64xf32, #tpu.memory_space<vmem>>)
    %dma_start3A_41 = arith.constant 2 : i32
    %dma_start3A_42 = arith.constant 256 : i32
    %dma_start3A_43 = arith.constant 0 : i32
    %dma_start3A_44 = tpu.memref_slice %arg8[%dma_start3A_42, %dma_start3A_43] : memref<512x64xf32, #tpu.memory_space<vmem>> -> memref<128x64xf32, #tpu.memory_space<vmem>>
    %dma_start3A_45 = arith.constant 0 : i32
    %dma_start3A_46 = tpu.memref_slice %arg7[%dma_start3A_41, %dma_start3A_45] : memref<4x128xi32, #tpu.memory_space<vmem>> -> memref<1x128xi32, #tpu.memory_space<vmem>>
    %dma_start3A_47 = tpu.memref_squeeze %dma_start3A_46 : memref<1x128xi32, #tpu.memory_space<vmem>> -> memref<128xi32, #tpu.memory_space<vmem>>
    %dma_start3A_48 = arith.constant 0 : i32
    %dma_start3A_49 = arith.constant 0 : i32
    %dma_start3A_50 = tpu.memref_slice %arg3[%dma_start3A_48, %dma_start3A_49] : memref<8192x64xf32, #tpu.memory_space<hbm>> -> memref<8192x64xf32, #tpu.memory_space<hbm>>
    tpu.enqueue_indirect_dma source(%dma_start3A_50 : memref<8192x64xf32, #tpu.memory_space<hbm>>) target(%dma_start3A_44 : memref<128x64xf32, #tpu.memory_space<vmem>>) offsets(%dma_start3A_47 : memref<128xi32, #tpu.memory_space<vmem>>) semaphore(%arg11 : memref<!tpu.dma_semaphore, #tpu.memory_space<semaphore_mem>>)
    %dma_wait3A_51 = arith.constant 2 : i32
    %dma_wait3A_52 = arith.constant 256 : i32
    %dma_wait3A_53 = arith.constant 0 : i32
    %dma_wait3A_54 = tpu.memref_slice %arg8[%dma_wait3A_52, %dma_wait3A_53] : memref<512x64xf32, #tpu.memory_space<vmem>> -> memref<128x64xf32, #tpu.memory_space<vmem>>
    %dma_wait3A_55 = arith.constant 0 : i32
    %dma_wait3A_56 = tpu.memref_slice %arg7[%dma_wait3A_51, %dma_wait3A_55] : memref<4x128xi32, #tpu.memory_space<vmem>> -> memref<1x128xi32, #tpu.memory_space<vmem>>
    %dma_wait3A_57 = tpu.memref_squeeze %dma_wait3A_56 : memref<1x128xi32, #tpu.memory_space<vmem>> -> memref<128xi32, #tpu.memory_space<vmem>>
    %dma_wait3A_58 = arith.constant 0 : i32
    %dma_wait3A_59 = arith.constant 0 : i32
    %dma_wait3A_60 = tpu.memref_slice %arg3[%dma_wait3A_58, %dma_wait3A_59] : memref<8192x64xf32, #tpu.memory_space<hbm>> -> memref<8192x64xf32, #tpu.memory_space<hbm>>
    tpu.wait_indirect_dma semaphore(%arg11 : memref<!tpu.dma_semaphore, #tpu.memory_space<semaphore_mem>>) src(%dma_wait3A_60 : memref<8192x64xf32, #tpu.memory_space<hbm>>) dst(%dma_wait3A_54 : memref<128x64xf32, #tpu.memory_space<vmem>>)
    %dma_start3A_61 = arith.constant 3 : i32
    %dma_start3A_62 = arith.constant 384 : i32
    %dma_start3A_63 = arith.constant 0 : i32
    %dma_start3A_64 = tpu.memref_slice %arg8[%dma_start3A_62, %dma_start3A_63] : memref<512x64xf32, #tpu.memory_space<vmem>> -> memref<128x64xf32, #tpu.memory_space<vmem>>
    %dma_start3A_65 = arith.constant 0 : i32
    %dma_start3A_66 = tpu.memref_slice %arg7[%dma_start3A_61, %dma_start3A_65] : memref<4x128xi32, #tpu.memory_space<vmem>> -> memref<1x128xi32, #tpu.memory_space<vmem>>
    %dma_start3A_67 = tpu.memref_squeeze %dma_start3A_66 : memref<1x128xi32, #tpu.memory_space<vmem>> -> memref<128xi32, #tpu.memory_space<vmem>>
    %dma_start3A_68 = arith.constant 0 : i32
    %dma_start3A_69 = arith.constant 0 : i32
    %dma_start3A_70 = tpu.memref_slice %arg3[%dma_start3A_68, %dma_start3A_69] : memref<8192x64xf32, #tpu.memory_space<hbm>> -> memref<8192x64xf32, #tpu.memory_space<hbm>>
    tpu.enqueue_indirect_dma source(%dma_start3A_70 : memref<8192x64xf32, #tpu.memory_space<hbm>>) target(%dma_start3A_64 : memref<128x64xf32, #tpu.memory_space<vmem>>) offsets(%dma_start3A_67 : memref<128xi32, #tpu.memory_space<vmem>>) semaphore(%arg11 : memref<!tpu.dma_semaphore, #tpu.memory_space<semaphore_mem>>)
    %dma_wait3A_71 = arith.constant 3 : i32
    %dma_wait3A_72 = arith.constant 384 : i32
    %dma_wait3A_73 = arith.constant 0 : i32
    %dma_wait3A_74 = tpu.memref_slice %arg8[%dma_wait3A_72, %dma_wait3A_73] : memref<512x64xf32, #tpu.memory_space<vmem>> -> memref<128x64xf32, #tpu.memory_space<vmem>>
    %dma_wait3A_75 = arith.constant 0 : i32
    %dma_wait3A_76 = tpu.memref_slice %arg7[%dma_wait3A_71, %dma_wait3A_75] : memref<4x128xi32, #tpu.memory_space<vmem>> -> memref<1x128xi32, #tpu.memory_space<vmem>>
    %dma_wait3A_77 = tpu.memref_squeeze %dma_wait3A_76 : memref<1x128xi32, #tpu.memory_space<vmem>> -> memref<128xi32, #tpu.memory_space<vmem>>
    %dma_wait3A_78 = arith.constant 0 : i32
    %dma_wait3A_79 = arith.constant 0 : i32
    %dma_wait3A_80 = tpu.memref_slice %arg3[%dma_wait3A_78, %dma_wait3A_79] : memref<8192x64xf32, #tpu.memory_space<hbm>> -> memref<8192x64xf32, #tpu.memory_space<hbm>>
    tpu.wait_indirect_dma semaphore(%arg11 : memref<!tpu.dma_semaphore, #tpu.memory_space<semaphore_mem>>) src(%dma_wait3A_80 : memref<8192x64xf32, #tpu.memory_space<hbm>>) dst(%dma_wait3A_74 : memref<128x64xf32, #tpu.memory_space<vmem>>)
    "tpu.region"() ({
      %run_scoped3A = tpu.sem_alloc : memref<!tpu.dma_semaphore, #tpu.memory_space<semaphore_mem>>
      %dma_start3A_101 = arith.constant 0 : i32
      %dma_start3A_102 = tpu.memref_slice %arg2[%mul3A_2, %dma_start3A_101] : memref<16384x64xf32, #tpu.memory_space<hbm>> -> memref<512x64xf32, #tpu.memory_space<hbm>>
      %dma_start3A_103 = arith.constant 0 : i32
      %dma_start3A_104 = tpu.memref_slice %arg2[%mul3A_2, %dma_start3A_103] : memref<16384x64xf32, #tpu.memory_space<hbm>> -> memref<512x64xf32, #tpu.memory_space<hbm>>
      tpu.enqueue_dma source(%dma_start3A_104 : memref<512x64xf32, #tpu.memory_space<hbm>>) target(%arg9 : memref<512x64xf32, #tpu.memory_space<vmem>>) target_semaphore(%run_scoped3A : memref<!tpu.dma_semaphore, #tpu.memory_space<semaphore_mem>>)
      %dma_wait3A_105 = arith.constant 0 : i32
      %dma_wait3A_106 = tpu.memref_slice %arg2[%mul3A_2, %dma_wait3A_105] : memref<16384x64xf32, #tpu.memory_space<hbm>> -> memref<512x64xf32, #tpu.memory_space<hbm>>
      %dma_wait3A_107 = arith.constant 0 : i32
      %dma_wait3A_108 = tpu.memref_slice %arg2[%mul3A_2, %dma_wait3A_107] : memref<16384x64xf32, #tpu.memory_space<hbm>> -> memref<512x64xf32, #tpu.memory_space<hbm>>
      tpu.wait_dma2 semaphore(%run_scoped3A : memref<!tpu.dma_semaphore, #tpu.memory_space<semaphore_mem>>) src(%dma_wait3A_108 : memref<512x64xf32, #tpu.memory_space<hbm>>) dst(%arg9 : memref<512x64xf32, #tpu.memory_space<vmem>>)
      tpu.yield
    }) : () -> ()
    %scan3A = arith.constant 0 : i32
    %scan3A_81 = arith.constant 0 : i32
    %scan3A_82 = arith.constant 512 : i32
    %scan3A_83 = arith.addi %scan3A_81, %scan3A_82 : i32
    %scan3A_84 = arith.constant 1 : i32
    scf.for %scan3A_101 = %scan3A_81 to %scan3A_83 step %scan3A_84  : i32 {
      %get3A = arith.index_cast %scan3A_101 : i32 to index
      %get3A_102 = arith.constant 0 : index
      %get3A_103 = tpu.vector_load %arg9[%get3A, %get3A_102] {strides = array<i32>} : memref<512x64xf32, #tpu.memory_space<vmem>>, vector<16xf32>,
      %get3A_104 = arith.index_cast %scan3A_101 : i32 to index
      %get3A_105 = arith.constant 0 : index
      %get3A_106 = tpu.vector_load %arg8[%get3A_104, %get3A_105] {strides = array<i32>} : memref<512x64xf32, #tpu.memory_space<vmem>>, vector<16xf32>,
      %sub3A = arith.subf %get3A_106, %get3A_103 : vector<16xf32>
      %add3A_107 = arith.addf %get3A_103, %sub3A : vector<16xf32>
      %swap3A = arith.index_cast %scan3A_101 : i32 to index
      %swap3A_108 = arith.constant 0 : index
      %swap3A_109 = tpu.vector_load %arg8[%swap3A, %swap3A_108] {strides = array<i32>} : memref<512x64xf32, #tpu.memory_space<vmem>>, vector<16xf32>,
      tpu.vector_store %arg8[%swap3A, %swap3A_108], %add3A_107 {strides = array<i32>} : memref<512x64xf32, #tpu.memory_space<vmem>>, vector<16xf32>,
      %get3A_110 = arith.index_cast %scan3A_101 : i32 to index
      %get3A_111 = arith.constant 16 : index
      %get3A_112 = tpu.vector_load %arg9[%get3A_110, %get3A_111] {strides = array<i32>} : memref<512x64xf32, #tpu.memory_space<vmem>>, vector<16xf32>,
      %get3A_113 = arith.index_cast %scan3A_101 : i32 to index
      %get3A_114 = arith.constant 16 : index
      %get3A_115 = tpu.vector_load %arg8[%get3A_113, %get3A_114] {strides = array<i32>} : memref<512x64xf32, #tpu.memory_space<vmem>>, vector<16xf32>,
      %sub3A_116 = arith.subf %get3A_115, %get3A_112 : vector<16xf32>
      %add3A_117 = arith.addf %get3A_112, %sub3A_116 : vector<16xf32>
      %swap3A_118 = arith.index_cast %scan3A_101 : i32 to index
      %swap3A_119 = arith.constant 16 : index
      %swap3A_120 = tpu.vector_load %arg8[%swap3A_118, %swap3A_119] {strides = array<i32>} : memref<512x64xf32, #tpu.memory_space<vmem>>, vector<16xf32>,
      tpu.vector_store %arg8[%swap3A_118, %swap3A_119], %add3A_117 {strides = array<i32>} : memref<512x64xf32, #tpu.memory_space<vmem>>, vector<16xf32>,
      %get3A_121 = arith.index_cast %scan3A_101 : i32 to index
      %get3A_122 = arith.constant 32 : index
      %get3A_123 = tpu.vector_load %arg9[%get3A_121, %get3A_122] {strides = array<i32>} : memref<512x64xf32, #tpu.memory_space<vmem>>, vector<16xf32>,
      %get3A_124 = arith.index_cast %scan3A_101 : i32 to index
      %get3A_125 = arith.constant 32 : index
      %get3A_126 = tpu.vector_load %arg8[%get3A_124, %get3A_125] {strides = array<i32>} : memref<512x64xf32, #tpu.memory_space<vmem>>, vector<16xf32>,
      %sub3A_127 = arith.subf %get3A_126, %get3A_123 : vector<16xf32>
      %add3A_128 = arith.addf %get3A_123, %sub3A_127 : vector<16xf32>
      %swap3A_129 = arith.index_cast %scan3A_101 : i32 to index
      %swap3A_130 = arith.constant 32 : index
      %swap3A_131 = tpu.vector_load %arg8[%swap3A_129, %swap3A_130] {strides = array<i32>} : memref<512x64xf32, #tpu.memory_space<vmem>>, vector<16xf32>,
      tpu.vector_store %arg8[%swap3A_129, %swap3A_130], %add3A_128 {strides = array<i32>} : memref<512x64xf32, #tpu.memory_space<vmem>>, vector<16xf32>,
      %get3A_132 = arith.index_cast %scan3A_101 : i32 to index
      %get3A_133 = arith.constant 48 : index
      %get3A_134 = tpu.vector_load %arg9[%get3A_132, %get3A_133] {strides = array<i32>} : memref<512x64xf32, #tpu.memory_space<vmem>>, vector<16xf32>,
      %get3A_135 = arith.index_cast %scan3A_101 : i32 to index
      %get3A_136 = arith.constant 48 : index
      %get3A_137 = tpu.vector_load %arg8[%get3A_135, %get3A_136] {strides = array<i32>} : memref<512x64xf32, #tpu.memory_space<vmem>>, vector<16xf32>,
      %sub3A_138 = arith.subf %get3A_137, %get3A_134 : vector<16xf32>
      %add3A_139 = arith.addf %get3A_134, %sub3A_138 : vector<16xf32>
      %swap3A_140 = arith.index_cast %scan3A_101 : i32 to index
      %swap3A_141 = arith.constant 48 : index
      %swap3A_142 = tpu.vector_load %arg8[%swap3A_140, %swap3A_141] {strides = array<i32>} : memref<512x64xf32, #tpu.memory_space<vmem>>, vector<16xf32>,
      tpu.vector_store %arg8[%swap3A_140, %swap3A_141], %add3A_139 {strides = array<i32>} : memref<512x64xf32, #tpu.memory_space<vmem>>, vector<16xf32>,
    }
    %scan3A_85 = arith.constant 512 : i32
    %broadcast_in_dim3A = arith.constant 0.000000e+00 : f32
    %broadcast_in_dim3A_86 = vector.broadcast %broadcast_in_dim3A : f32 to vector<16xf32>
    %scan3A_87 = arith.constant 0 : i32
    %scan3A_88 = arith.constant 0 : i32
    %scan3A_89 = arith.constant 512 : i32
    %scan3A_90 = arith.addi %scan3A_88, %scan3A_89 : i32
    %scan3A_91 = arith.constant 1 : i32
    scf.for %scan3A_101 = %scan3A_88 to %scan3A_90 step %scan3A_91  : i32 {
      %mul3A_102 = arith.constant 16 : i32
      %mul3A_103 = arith.muli %scan3A_101, %mul3A_102 : i32
      %swap3A = arith.index_cast %mul3A_103 : i32 to index
      %swap3A_104 = tpu.vector_load %arg10[%swap3A] {strides = array<i32>} : memref<8192xf32, #tpu.memory_space<vmem>>, vector<16xf32>,
      tpu.vector_store %arg10[%swap3A], %broadcast_in_dim3A_86 {strides = array<i32>} : memref<8192xf32, #tpu.memory_space<vmem>>, vector<16xf32>,
    }
    %scan3A_92 = arith.constant 512 : i32
    %broadcast_in_dim3A_93 = arith.constant 1.000000e+00 : f32
    %broadcast_in_dim3A_94 = vector.broadcast %broadcast_in_dim3A_93 : f32 to vector<16xf32>
    %iota3A = tpu.iota {dimensions = array<i32: 0>} : vector<16xi32>
    %scan3A_95 = arith.constant 0 : i32
    %scan3A_96 = arith.constant 0 : i32
    %scan3A_97 = arith.constant 32 : i32
    %scan3A_98 = arith.addi %scan3A_96, %scan3A_97 : i32
    %scan3A_99 = arith.constant 1 : i32
    scf.for %scan3A_101 = %scan3A_96 to %scan3A_98 step %scan3A_99  : i32 {
      %jit3A = arith.constant 8 : i32
      %div3A = arith.divsi %scan3A_101, %jit3A : i32
      %sign3A = arith.constant 0 : i32
      %sign3A_102 = arith.cmpi sgt, %scan3A_101, %sign3A : i32
      %sign3A_103 = arith.extui %sign3A_102 : i1 to i32
      %sign3A_104 = arith.constant 0 : i32
      %sign3A_105 = arith.cmpi slt, %scan3A_101, %sign3A_104 : i32
      %sign3A_106 = arith.extui %sign3A_105 : i1 to i32
      %sign3A_107 = arith.subi %sign3A_103, %sign3A_106 : i32
      %sign3A_108 = arith.constant 0 : i32
      %sign3A_109 = arith.cmpi sgt, %jit3A, %sign3A_108 : i32
      %sign3A_110 = arith.extui %sign3A_109 : i1 to i32
      %sign3A_111 = arith.constant 0 : i32
      %sign3A_112 = arith.cmpi slt, %jit3A, %sign3A_111 : i32
      %sign3A_113 = arith.extui %sign3A_112 : i1 to i32
      %sign3A_114 = arith.subi %sign3A_110, %sign3A_113 : i32
      %ne3A = arith.cmpi ne, %sign3A_107, %sign3A_114 : i32
      %rem3A = arith.remsi %scan3A_101, %jit3A : i32
      %ne3A_115 = arith.constant 0 : i32
      %ne3A_116 = arith.cmpi ne, %rem3A, %ne3A_115 : i32
      %and3A = arith.andi %ne3A, %ne3A_116 : i1
      %sub3A = arith.constant 1 : i32
      %sub3A_117 = arith.subi %div3A, %sub3A : i32
      %select_n3A = arith.select %and3A, %sub3A_117, %div3A : i32
      %jit3A_118 = arith.constant 8 : i32
      %eq3A = arith.constant 0 : i32
      %eq3A_119 = arith.cmpi eq, %jit3A_118, %eq3A : i32
      %jit3A_120 = arith.constant 1 : i32
      %select_n3A_121 = arith.select %eq3A_119, %jit3A_120, %jit3A_118 : i32
      %rem3A_122 = arith.remsi %scan3A_101, %select_n3A_121 : i32
      %ne3A_123 = arith.constant 0 : i32
      %ne3A_124 = arith.cmpi ne, %rem3A_122, %ne3A_123 : i32
      %lt3A = arith.constant 0 : i32
      %lt3A_125 = arith.cmpi slt, %rem3A_122, %lt3A : i32
      %lt3A_126 = arith.constant 0 : i32
      %lt3A_127 = arith.cmpi slt, %select_n3A_121, %lt3A_126 : i32
      %ne3A_128 = arith.xori %lt3A_125, %lt3A_127 : i1
      %and3A_129 = arith.andi %ne3A_128, %ne3A_124 : i1
      %add3A_130 = arith.addi %rem3A_122, %select_n3A_121 : i32
      %select_n3A_131 = arith.select %and3A_129, %add3A_130, %rem3A_122 : i32
      %mul3A_132 = arith.constant 16 : i32
      %mul3A_133 = arith.muli %select_n3A_131, %mul3A_132 : i32
      %get3A = arith.index_cast %select_n3A : i32 to index
      %get3A_134 = arith.index_cast %mul3A_133 : i32 to index
      %get3A_135 = tpu.vector_load %arg7[%get3A, %get3A_134] {strides = array<i32>} : memref<4x128xi32, #tpu.memory_space<vmem>>, vector<16xi32>,
      %eq3A_136 = arith.constant 0 : i32
      %eq3A_137 = vector.broadcast %eq3A_136 : i32 to vector<16xi32>
      %eq3A_138 = arith.cmpi eq, %iota3A, %eq3A_137 : vector<16xi32>
      tpu.vector_store_idx %arg10[%get3A_135], %broadcast_in_dim3A_94 masked %eq3A_138 {add = true} : memref<8192xf32, #tpu.memory_space<vmem>>[vector<16xi32>], vector<16xf32>, vector<16xi1>
      %eq3A_139 = arith.constant 1 : i32
      %eq3A_140 = vector.broadcast %eq3A_139 : i32 to vector<16xi32>
      %eq3A_141 = arith.cmpi eq, %iota3A, %eq3A_140 : vector<16xi32>
      tpu.vector_store_idx %arg10[%get3A_135], %broadcast_in_dim3A_94 masked %eq3A_141 {add = true} : memref<8192xf32, #tpu.memory_space<vmem>>[vector<16xi32>], vector<16xf32>, vector<16xi1>
      %eq3A_142 = arith.constant 2 : i32
      %eq3A_143 = vector.broadcast %eq3A_142 : i32 to vector<16xi32>
      %eq3A_144 = arith.cmpi eq, %iota3A, %eq3A_143 : vector<16xi32>
      tpu.vector_store_idx %arg10[%get3A_135], %broadcast_in_dim3A_94 masked %eq3A_144 {add = true} : memref<8192xf32, #tpu.memory_space<vmem>>[vector<16xi32>], vector<16xf32>, vector<16xi1>
      %eq3A_145 = arith.constant 3 : i32
      %eq3A_146 = vector.broadcast %eq3A_145 : i32 to vector<16xi32>
      %eq3A_147 = arith.cmpi eq, %iota3A, %eq3A_146 : vector<16xi32>
      tpu.vector_store_idx %arg10[%get3A_135], %broadcast_in_dim3A_94 masked %eq3A_147 {add = true} : memref<8192xf32, #tpu.memory_space<vmem>>[vector<16xi32>], vector<16xf32>, vector<16xi1>
      %eq3A_148 = arith.constant 4 : i32
      %eq3A_149 = vector.broadcast %eq3A_148 : i32 to vector<16xi32>
      %eq3A_150 = arith.cmpi eq, %iota3A, %eq3A_149 : vector<16xi32>
      tpu.vector_store_idx %arg10[%get3A_135], %broadcast_in_dim3A_94 masked %eq3A_150 {add = true} : memref<8192xf32, #tpu.memory_space<vmem>>[vector<16xi32>], vector<16xf32>, vector<16xi1>
      %eq3A_151 = arith.constant 5 : i32
      %eq3A_152 = vector.broadcast %eq3A_151 : i32 to vector<16xi32>
      %eq3A_153 = arith.cmpi eq, %iota3A, %eq3A_152 : vector<16xi32>
      tpu.vector_store_idx %arg10[%get3A_135], %broadcast_in_dim3A_94 masked %eq3A_153 {add = true} : memref<8192xf32, #tpu.memory_space<vmem>>[vector<16xi32>], vector<16xf32>, vector<16xi1>
      %eq3A_154 = arith.constant 6 : i32
      %eq3A_155 = vector.broadcast %eq3A_154 : i32 to vector<16xi32>
      %eq3A_156 = arith.cmpi eq, %iota3A, %eq3A_155 : vector<16xi32>
      tpu.vector_store_idx %arg10[%get3A_135], %broadcast_in_dim3A_94 masked %eq3A_156 {add = true} : memref<8192xf32, #tpu.memory_space<vmem>>[vector<16xi32>], vector<16xf32>, vector<16xi1>
      %eq3A_157 = arith.constant 7 : i32
      %eq3A_158 = vector.broadcast %eq3A_157 : i32 to vector<16xi32>
      %eq3A_159 = arith.cmpi eq, %iota3A, %eq3A_158 : vector<16xi32>
      tpu.vector_store_idx %arg10[%get3A_135], %broadcast_in_dim3A_94 masked %eq3A_159 {add = true} : memref<8192xf32, #tpu.memory_space<vmem>>[vector<16xi32>], vector<16xf32>, vector<16xi1>
      %eq3A_160 = arith.constant 8 : i32
      %eq3A_161 = vector.broadcast %eq3A_160 : i32 to vector<16xi32>
      %eq3A_162 = arith.cmpi eq, %iota3A, %eq3A_161 : vector<16xi32>
      tpu.vector_store_idx %arg10[%get3A_135], %broadcast_in_dim3A_94 masked %eq3A_162 {add = true} : memref<8192xf32, #tpu.memory_space<vmem>>[vector<16xi32>], vector<16xf32>, vector<16xi1>
      %eq3A_163 = arith.constant 9 : i32
      %eq3A_164 = vector.broadcast %eq3A_163 : i32 to vector<16xi32>
      %eq3A_165 = arith.cmpi eq, %iota3A, %eq3A_164 : vector<16xi32>
      tpu.vector_store_idx %arg10[%get3A_135], %broadcast_in_dim3A_94 masked %eq3A_165 {add = true} : memref<8192xf32, #tpu.memory_space<vmem>>[vector<16xi32>], vector<16xf32>, vector<16xi1>
      %eq3A_166 = arith.constant 10 : i32
      %eq3A_167 = vector.broadcast %eq3A_166 : i32 to vector<16xi32>
      %eq3A_168 = arith.cmpi eq, %iota3A, %eq3A_167 : vector<16xi32>
      tpu.vector_store_idx %arg10[%get3A_135], %broadcast_in_dim3A_94 masked %eq3A_168 {add = true} : memref<8192xf32, #tpu.memory_space<vmem>>[vector<16xi32>], vector<16xf32>, vector<16xi1>
      %eq3A_169 = arith.constant 11 : i32
      %eq3A_170 = vector.broadcast %eq3A_169 : i32 to vector<16xi32>
      %eq3A_171 = arith.cmpi eq, %iota3A, %eq3A_170 : vector<16xi32>
      tpu.vector_store_idx %arg10[%get3A_135], %broadcast_in_dim3A_94 masked %eq3A_171 {add = true} : memref<8192xf32, #tpu.memory_space<vmem>>[vector<16xi32>], vector<16xf32>, vector<16xi1>
      %eq3A_172 = arith.constant 12 : i32
      %eq3A_173 = vector.broadcast %eq3A_172 : i32 to vector<16xi32>
      %eq3A_174 = arith.cmpi eq, %iota3A, %eq3A_173 : vector<16xi32>
      tpu.vector_store_idx %arg10[%get3A_135], %broadcast_in_dim3A_94 masked %eq3A_174 {add = true} : memref<8192xf32, #tpu.memory_space<vmem>>[vector<16xi32>], vector<16xf32>, vector<16xi1>
      %eq3A_175 = arith.constant 13 : i32
      %eq3A_176 = vector.broadcast %eq3A_175 : i32 to vector<16xi32>
      %eq3A_177 = arith.cmpi eq, %iota3A, %eq3A_176 : vector<16xi32>
      tpu.vector_store_idx %arg10[%get3A_135], %broadcast_in_dim3A_94 masked %eq3A_177 {add = true} : memref<8192xf32, #tpu.memory_space<vmem>>[vector<16xi32>], vector<16xf32>, vector<16xi1>
      %eq3A_178 = arith.constant 14 : i32
      %eq3A_179 = vector.broadcast %eq3A_178 : i32 to vector<16xi32>
      %eq3A_180 = arith.cmpi eq, %iota3A, %eq3A_179 : vector<16xi32>
      tpu.vector_store_idx %arg10[%get3A_135], %broadcast_in_dim3A_94 masked %eq3A_180 {add = true} : memref<8192xf32, #tpu.memory_space<vmem>>[vector<16xi32>], vector<16xf32>, vector<16xi1>
      %eq3A_181 = arith.constant 15 : i32
      %eq3A_182 = vector.broadcast %eq3A_181 : i32 to vector<16xi32>
      %eq3A_183 = arith.cmpi eq, %iota3A, %eq3A_182 : vector<16xi32>
      tpu.vector_store_idx %arg10[%get3A_135], %broadcast_in_dim3A_94 masked %eq3A_183 {add = true} : memref<8192xf32, #tpu.memory_space<vmem>>[vector<16xi32>], vector<16xf32>, vector<16xi1>
    }
    %scan3A_100 = arith.constant 32 : i32
    "tpu.region"() ({
      %run_scoped3A = tpu.sem_alloc : memref<!tpu.dma_semaphore, #tpu.memory_space<semaphore_mem>>
      %dma_start3A_101 = arith.constant 0 : i32
      %dma_start3A_102 = tpu.memref_slice %arg5[%mul3A_2, %dma_start3A_101] : memref<16384x64xf32, #tpu.memory_space<hbm>> -> memref<512x64xf32, #tpu.memory_space<hbm>>
      %dma_start3A_103 = arith.constant 0 : i32
      %dma_start3A_104 = tpu.memref_slice %arg5[%mul3A_2, %dma_start3A_103] : memref<16384x64xf32, #tpu.memory_space<hbm>> -> memref<512x64xf32, #tpu.memory_space<hbm>>
      tpu.enqueue_dma source(%arg8 : memref<512x64xf32, #tpu.memory_space<vmem>>) target(%dma_start3A_104 : memref<512x64xf32, #tpu.memory_space<hbm>>) target_semaphore(%run_scoped3A : memref<!tpu.dma_semaphore, #tpu.memory_space<semaphore_mem>>)
      %dma_wait3A_105 = arith.constant 0 : i32
      %dma_wait3A_106 = tpu.memref_slice %arg5[%mul3A_2, %dma_wait3A_105] : memref<16384x64xf32, #tpu.memory_space<hbm>> -> memref<512x64xf32, #tpu.memory_space<hbm>>
      %dma_wait3A_107 = arith.constant 0 : i32
      %dma_wait3A_108 = tpu.memref_slice %arg5[%mul3A_2, %dma_wait3A_107] : memref<16384x64xf32, #tpu.memory_space<hbm>> -> memref<512x64xf32, #tpu.memory_space<hbm>>
      tpu.wait_dma2 semaphore(%run_scoped3A : memref<!tpu.dma_semaphore, #tpu.memory_space<semaphore_mem>>) src(%arg8 : memref<512x64xf32, #tpu.memory_space<vmem>>) dst(%dma_wait3A_108 : memref<512x64xf32, #tpu.memory_space<hbm>>)
      tpu.yield
    }) : () -> ()
    "tpu.region"() ({
      %run_scoped3A = tpu.sem_alloc : memref<!tpu.dma_semaphore, #tpu.memory_space<semaphore_mem>>
      %dma_start3A_101 = arith.constant 0 : i32
      %dma_start3A_102 = tpu.memref_slice %arg6[%add3A, %dma_start3A_101] : memref<32x8192xf32, #tpu.memory_space<hbm>> -> memref<1x8192xf32, #tpu.memory_space<hbm>>
      %dma_start3A_103 = tpu.memref_squeeze %dma_start3A_102 : memref<1x8192xf32, #tpu.memory_space<hbm>> -> memref<8192xf32, #tpu.memory_space<hbm>>
      %dma_start3A_104 = arith.constant 0 : i32
      %dma_start3A_105 = tpu.memref_slice %arg6[%add3A, %dma_start3A_104] : memref<32x8192xf32, #tpu.memory_space<hbm>> -> memref<1x8192xf32, #tpu.memory_space<hbm>>
      %dma_start3A_106 = tpu.memref_squeeze %dma_start3A_105 : memref<1x8192xf32, #tpu.memory_space<hbm>> -> memref<8192xf32, #tpu.memory_space<hbm>>
      tpu.enqueue_dma source(%arg10 : memref<8192xf32, #tpu.memory_space<vmem>>) target(%dma_start3A_106 : memref<8192xf32, #tpu.memory_space<hbm>>) target_semaphore(%run_scoped3A : memref<!tpu.dma_semaphore, #tpu.memory_space<semaphore_mem>>)
      %dma_wait3A_107 = arith.constant 0 : i32
      %dma_wait3A_108 = tpu.memref_slice %arg6[%add3A, %dma_wait3A_107] : memref<32x8192xf32, #tpu.memory_space<hbm>> -> memref<1x8192xf32, #tpu.memory_space<hbm>>
      %dma_wait3A_109 = tpu.memref_squeeze %dma_wait3A_108 : memref<1x8192xf32, #tpu.memory_space<hbm>> -> memref<8192xf32, #tpu.memory_space<hbm>>
      %dma_wait3A_110 = arith.constant 0 : i32
      %dma_wait3A_111 = tpu.memref_slice %arg6[%add3A, %dma_wait3A_110] : memref<32x8192xf32, #tpu.memory_space<hbm>> -> memref<1x8192xf32, #tpu.memory_space<hbm>>
      %dma_wait3A_112 = tpu.memref_squeeze %dma_wait3A_111 : memref<1x8192xf32, #tpu.memory_space<hbm>> -> memref<8192xf32, #tpu.memory_space<hbm>>
      tpu.wait_dma2 semaphore(%run_scoped3A : memref<!tpu.dma_semaphore, #tpu.memory_space<semaphore_mem>>) src(%arg10 : memref<8192xf32, #tpu.memory_space<vmem>>) dst(%dma_wait3A_112 : memref<8192xf32, #tpu.memory_space<hbm>>)
      tpu.yield
    }) : () -> ()
    return
  }
}

module attributes {stable_mosaic.version = 14 : i64} {
  func.func @_vq1_body(%arg0: i32, %arg1: memref<512x64xf32, #tpu.memory_space<vmem>>, %arg2: memref<8192x64xf32, #tpu.memory_space<vmem>>, %arg3: memref<512x1xi32, #tpu.memory_space<vmem>>, %arg4: memref<512x1xf32, #tpu.memory_space<vmem>>) attributes {dimension_semantics = [#tpu.dimension_semantics<arbitrary>], iteration_bounds = array<i64: 32>, scalar_prefetch = 0 : i64, scratch_operands = 0 : i64, tpu.core_type = #tpu.core_type<tc>, window_params = [{transform_indices = @transform_0, window_bounds = array<i64: 512, 64>}, {pipeline_mode = #tpu.pipeline_mode<synchronous>, transform_indices = @transform_1, window_bounds = array<i64: 8192, 64>}, {transform_indices = @transform_2, window_bounds = array<i64: 512, 1>}, {transform_indices = @transform_3, window_bounds = array<i64: 512, 1>}]} {
    %get3A = arith.constant 0 : index
    %get3A_0 = arith.constant 0 : index
    %get3A_1 = vector.load %arg1[%get3A, %get3A_0] : memref<512x64xf32, #tpu.memory_space<vmem>>, vector<512x64xf32>
    %mul3A = arith.mulf %get3A_1, %get3A_1 : vector<512x64xf32>
    %slice3A = vector.extract_strided_slice %mul3A {offsets = [0, 0], sizes = [512, 8], strides = [1, 1]} : vector<512x64xf32> to vector<512x8xf32>
    %slice3A_2 = vector.extract_strided_slice %mul3A {offsets = [0, 8], sizes = [512, 8], strides = [1, 1]} : vector<512x64xf32> to vector<512x8xf32>
    %add3A = arith.addf %slice3A, %slice3A_2 : vector<512x8xf32>
    %slice3A_3 = vector.extract_strided_slice %mul3A {offsets = [0, 16], sizes = [512, 8], strides = [1, 1]} : vector<512x64xf32> to vector<512x8xf32>
    %add3A_4 = arith.addf %add3A, %slice3A_3 : vector<512x8xf32>
    %slice3A_5 = vector.extract_strided_slice %mul3A {offsets = [0, 24], sizes = [512, 8], strides = [1, 1]} : vector<512x64xf32> to vector<512x8xf32>
    %add3A_6 = arith.addf %add3A_4, %slice3A_5 : vector<512x8xf32>
    %slice3A_7 = vector.extract_strided_slice %mul3A {offsets = [0, 32], sizes = [512, 8], strides = [1, 1]} : vector<512x64xf32> to vector<512x8xf32>
    %add3A_8 = arith.addf %add3A_6, %slice3A_7 : vector<512x8xf32>
    %slice3A_9 = vector.extract_strided_slice %mul3A {offsets = [0, 40], sizes = [512, 8], strides = [1, 1]} : vector<512x64xf32> to vector<512x8xf32>
    %add3A_10 = arith.addf %add3A_8, %slice3A_9 : vector<512x8xf32>
    %slice3A_11 = vector.extract_strided_slice %mul3A {offsets = [0, 48], sizes = [512, 8], strides = [1, 1]} : vector<512x64xf32> to vector<512x8xf32>
    %add3A_12 = arith.addf %add3A_10, %slice3A_11 : vector<512x8xf32>
    %slice3A_13 = vector.extract_strided_slice %mul3A {offsets = [0, 56], sizes = [512, 8], strides = [1, 1]} : vector<512x64xf32> to vector<512x8xf32>
    %add3A_14 = arith.addf %add3A_12, %slice3A_13 : vector<512x8xf32>
    %slice3A_15 = vector.extract_strided_slice %add3A_14 {offsets = [0, 0], sizes = [512, 4], strides = [1, 1]} : vector<512x8xf32> to vector<512x4xf32>
    %slice3A_16 = vector.extract_strided_slice %add3A_14 {offsets = [0, 4], sizes = [512, 4], strides = [1, 1]} : vector<512x8xf32> to vector<512x4xf32>
    %add3A_17 = arith.addf %slice3A_15, %slice3A_16 : vector<512x4xf32>
    %slice3A_18 = vector.extract_strided_slice %add3A_17 {offsets = [0, 0], sizes = [512, 2], strides = [1, 1]} : vector<512x4xf32> to vector<512x2xf32>
    %slice3A_19 = vector.extract_strided_slice %add3A_17 {offsets = [0, 2], sizes = [512, 2], strides = [1, 1]} : vector<512x4xf32> to vector<512x2xf32>
    %add3A_20 = arith.addf %slice3A_18, %slice3A_19 : vector<512x2xf32>
    %slice3A_21 = vector.extract_strided_slice %add3A_20 {offsets = [0, 0], sizes = [512, 1], strides = [1, 1]} : vector<512x2xf32> to vector<512x1xf32>
    %slice3A_22 = vector.extract_strided_slice %add3A_20 {offsets = [0, 1], sizes = [512, 1], strides = [1, 1]} : vector<512x2xf32> to vector<512x1xf32>
    %add3A_23 = arith.addf %slice3A_21, %slice3A_22 : vector<512x1xf32>
    %mul3A_24 = arith.constant 2.000000e+00 : f32
    %mul3A_25 = vector.broadcast %mul3A_24 : f32 to vector<512x64xf32>
    %mul3A_26 = arith.mulf %mul3A_25, %get3A_1 : vector<512x64xf32>
    %convert_element_type3A = arith.truncf %mul3A_26 : vector<512x64xf32> to vector<512x64xbf16>
    %convert_element_type3A_27 = arith.extf %convert_element_type3A : vector<512x64xbf16> to vector<512x64xf32>
    %broadcast_in_dim3A = arith.constant 1.000000e+00 : f32
    %broadcast_in_dim3A_28 = vector.broadcast %broadcast_in_dim3A : f32 to vector<1x64xf32>
    %iota3A = tpu.iota {dimensions = array<i32: 1>} : vector<512x4096xi32>
    %broadcast_in_dim3A_29 = arith.constant 0x7F800000 : f32
    %broadcast_in_dim3A_30 = vector.broadcast %broadcast_in_dim3A_29 : f32 to vector<512x1xf32>
    %broadcast_in_dim3A_31 = arith.constant 0 : i32
    %broadcast_in_dim3A_32 = vector.broadcast %broadcast_in_dim3A_31 : i32 to vector<512x1xi32>
    %broadcast_in_dim3A_33 = arith.constant 0x7F800000 : f32
    %broadcast_in_dim3A_34 = vector.broadcast %broadcast_in_dim3A_33 : f32 to vector<512x1xf32>
    %scan3A = arith.constant 0 : i32
    %scan3A_35 = arith.constant 2 : i32
    %scan3A_36 = arith.addi %scan3A, %scan3A_35 : i32
    %scan3A_37 = arith.constant 1 : i32
    %scan3A_38:3 = scf.for %scan3A_45 = %scan3A to %scan3A_36 step %scan3A_37 iter_args(%scan3A_46 = %broadcast_in_dim3A_30, %scan3A_47 = %broadcast_in_dim3A_32, %scan3A_48 = %broadcast_in_dim3A_34) -> (vector<512x1xf32>, vector<512x1xi32>, vector<512x1xf32>)  : i32 {
      %broadcast_in_dim3A_49 = arith.constant 0x7F800000 : f32
      %broadcast_in_dim3A_50 = vector.broadcast %broadcast_in_dim3A_49 : f32 to vector<512x1xf32>
      %broadcast_in_dim3A_51 = arith.constant 0 : i32
      %broadcast_in_dim3A_52 = vector.broadcast %broadcast_in_dim3A_51 : i32 to vector<512x1xi32>
      %mul3A_53 = arith.constant 1 : i32
      %mul3A_54 = arith.muli %scan3A_45, %mul3A_53 : i32
      %add3A_55 = arith.constant 1 : i32
      %add3A_56 = arith.addi %scan3A_45, %add3A_55 : i32
      %mul3A_57 = arith.constant 1 : i32
      %mul3A_58 = arith.muli %add3A_56, %mul3A_57 : i32
      %while3A = arith.subi %mul3A_58, %mul3A_54 : i32
      %while3A_59 = arith.addi %mul3A_54, %while3A : i32
      %while3A_60 = arith.constant 1 : i32
      %while3A_61 = arith.divsi %while3A, %while3A_60 : i32
      %while3A_62 = arith.muli %while3A_61, %while3A_60 : i32
      %while3A_63 = arith.addi %mul3A_54, %while3A_62 : i32
      %while3A_64 = arith.constant 1 : i32
      %while3A_65:2 = scf.for %while3A_72 = %mul3A_54 to %while3A_63 step %while3A_64 iter_args(%while3A_73 = %broadcast_in_dim3A_50, %while3A_74 = %broadcast_in_dim3A_52) -> (vector<512x1xf32>, vector<512x1xi32>)  : i32 {
        %mul3A_75 = arith.constant 4096 : i32
        %mul3A_76 = arith.muli %while3A_72, %mul3A_75 : i32
        %get3A_77 = arith.index_cast %mul3A_76 : i32 to index
        %get3A_78 = arith.constant 0 : index
        %get3A_79 = vector.load %arg2[%get3A_77, %get3A_78] : memref<8192x64xf32, #tpu.memory_space<vmem>>, vector<4096x64xf32>
        %dot_general3A = arith.constant dense<0.000000e+00> : vector<512x4096xf32>
        %dot_general3A_80 = tpu.matmul %convert_element_type3A_27, %get3A_79, %dot_general3A {dimension_numbers = #tpu.dot_dimension_numbers<[1], [1], [0], [0], [0, 0, 1, 0], [], []>, transpose_lhs_hint = false} : vector<512x64xf32>, vector<4096x64xf32>, vector<512x4096xf32> -> vector<512x4096xf32>
        %mul3A_81 = arith.mulf %get3A_79, %get3A_79 : vector<4096x64xf32>
        %dot_general3A_82 = arith.constant dense<0.000000e+00> : vector<1x4096xf32>
        %dot_general3A_83 = tpu.matmul %broadcast_in_dim3A_28, %mul3A_81, %dot_general3A_82 {dimension_numbers = #tpu.dot_dimension_numbers<[1], [1], [0], [0], [0, 0, 1, 0], [], []>, transpose_lhs_hint = false} : vector<1x64xf32>, vector<4096x64xf32>, vector<1x4096xf32> -> vector<1x4096xf32>
        %add3A_84 = vector.broadcast %add3A_23 : vector<512x1xf32> to vector<512x4096xf32>
        %add3A_85 = vector.broadcast %dot_general3A_83 : vector<1x4096xf32> to vector<512x4096xf32>
        %add3A_86 = arith.addf %add3A_84, %add3A_85 : vector<512x4096xf32>
        %sub3A = arith.subf %add3A_86, %dot_general3A_80 : vector<512x4096xf32>
        %reduce_min3A = arith.constant dense<0x7F800000> : vector<512xf32>
        %reduce_min3A_87 = vector.multi_reduction <minimumf>, %sub3A, %reduce_min3A [1] : vector<512x4096xf32> to vector<512xf32>
        %broadcast_in_dim3A_88 = vector.shape_cast %reduce_min3A_87 : vector<512xf32> to vector<512x1xf32>
        %eq3A = vector.broadcast %broadcast_in_dim3A_88 : vector<512x1xf32> to vector<512x4096xf32>
        %eq3A_89 = arith.cmpf oeq, %sub3A, %eq3A : vector<512x4096xf32>
        %jit3A = arith.constant 4096 : i32
        %broadcast_in_dim3A_90 = vector.broadcast %jit3A : i32 to vector<512x4096xi32>
        %select_n3A_91 = arith.select %eq3A_89, %iota3A, %broadcast_in_dim3A_90 : vector<512x4096xi1>, vector<512x4096xi32>
        %reduce_min3A_92 = arith.constant dense<2147483647> : vector<512xi32>
        %reduce_min3A_93 = vector.multi_reduction <minsi>, %select_n3A_91, %reduce_min3A_92 [1] : vector<512x4096xi32> to vector<512xi32>
        %broadcast_in_dim3A_94 = vector.shape_cast %reduce_min3A_93 : vector<512xi32> to vector<512x1xi32>
        %lt3A_95 = arith.cmpf olt, %broadcast_in_dim3A_88, %while3A_73 : vector<512x1xf32>
        %select_n3A_96 = arith.select %lt3A_95, %broadcast_in_dim3A_88, %while3A_73 : vector<512x1xi1>, vector<512x1xf32>
        %mul3A_97 = arith.constant 4096 : i32
        %mul3A_98 = arith.muli %while3A_72, %mul3A_97 : i32
        %add3A_99 = vector.broadcast %mul3A_98 : i32 to vector<512x1xi32>
        %add3A_100 = arith.addi %broadcast_in_dim3A_94, %add3A_99 : vector<512x1xi32>
        %select_n3A_101 = arith.select %lt3A_95, %add3A_100, %while3A_74 : vector<512x1xi1>, vector<512x1xi32>
        scf.yield %select_n3A_96, %select_n3A_101 : vector<512x1xf32>, vector<512x1xi32>
      }
      %while3A_66 = arith.constant 1 : i32
      %while3A_67:2 = scf.for %while3A_72 = %while3A_63 to %while3A_59 step %while3A_66 iter_args(%while3A_73 = %while3A_65#0, %while3A_74 = %while3A_65#1) -> (vector<512x1xf32>, vector<512x1xi32>)  : i32 {
        %mul3A_75 = arith.constant 4096 : i32
        %mul3A_76 = arith.muli %while3A_72, %mul3A_75 : i32
        %get3A_77 = arith.index_cast %mul3A_76 : i32 to index
        %get3A_78 = arith.constant 0 : index
        %get3A_79 = vector.load %arg2[%get3A_77, %get3A_78] : memref<8192x64xf32, #tpu.memory_space<vmem>>, vector<4096x64xf32>
        %dot_general3A = arith.constant dense<0.000000e+00> : vector<512x4096xf32>
        %dot_general3A_80 = tpu.matmul %convert_element_type3A_27, %get3A_79, %dot_general3A {dimension_numbers = #tpu.dot_dimension_numbers<[1], [1], [0], [0], [0, 0, 1, 0], [], []>, transpose_lhs_hint = false} : vector<512x64xf32>, vector<4096x64xf32>, vector<512x4096xf32> -> vector<512x4096xf32>
        %mul3A_81 = arith.mulf %get3A_79, %get3A_79 : vector<4096x64xf32>
        %dot_general3A_82 = arith.constant dense<0.000000e+00> : vector<1x4096xf32>
        %dot_general3A_83 = tpu.matmul %broadcast_in_dim3A_28, %mul3A_81, %dot_general3A_82 {dimension_numbers = #tpu.dot_dimension_numbers<[1], [1], [0], [0], [0, 0, 1, 0], [], []>, transpose_lhs_hint = false} : vector<1x64xf32>, vector<4096x64xf32>, vector<1x4096xf32> -> vector<1x4096xf32>
        %add3A_84 = vector.broadcast %add3A_23 : vector<512x1xf32> to vector<512x4096xf32>
        %add3A_85 = vector.broadcast %dot_general3A_83 : vector<1x4096xf32> to vector<512x4096xf32>
        %add3A_86 = arith.addf %add3A_84, %add3A_85 : vector<512x4096xf32>
        %sub3A = arith.subf %add3A_86, %dot_general3A_80 : vector<512x4096xf32>
        %reduce_min3A = arith.constant dense<0x7F800000> : vector<512xf32>
        %reduce_min3A_87 = vector.multi_reduction <minimumf>, %sub3A, %reduce_min3A [1] : vector<512x4096xf32> to vector<512xf32>
        %broadcast_in_dim3A_88 = vector.shape_cast %reduce_min3A_87 : vector<512xf32> to vector<512x1xf32>
        %eq3A = vector.broadcast %broadcast_in_dim3A_88 : vector<512x1xf32> to vector<512x4096xf32>
        %eq3A_89 = arith.cmpf oeq, %sub3A, %eq3A : vector<512x4096xf32>
        %jit3A = arith.constant 4096 : i32
        %broadcast_in_dim3A_90 = vector.broadcast %jit3A : i32 to vector<512x4096xi32>
        %select_n3A_91 = arith.select %eq3A_89, %iota3A, %broadcast_in_dim3A_90 : vector<512x4096xi1>, vector<512x4096xi32>
        %reduce_min3A_92 = arith.constant dense<2147483647> : vector<512xi32>
        %reduce_min3A_93 = vector.multi_reduction <minsi>, %select_n3A_91, %reduce_min3A_92 [1] : vector<512x4096xi32> to vector<512xi32>
        %broadcast_in_dim3A_94 = vector.shape_cast %reduce_min3A_93 : vector<512xi32> to vector<512x1xi32>
        %lt3A_95 = arith.cmpf olt, %broadcast_in_dim3A_88, %while3A_73 : vector<512x1xf32>
        %select_n3A_96 = arith.select %lt3A_95, %broadcast_in_dim3A_88, %while3A_73 : vector<512x1xi1>, vector<512x1xf32>
        %mul3A_97 = arith.constant 4096 : i32
        %mul3A_98 = arith.muli %while3A_72, %mul3A_97 : i32
        %add3A_99 = vector.broadcast %mul3A_98 : i32 to vector<512x1xi32>
        %add3A_100 = arith.addi %broadcast_in_dim3A_94, %add3A_99 : vector<512x1xi32>
        %select_n3A_101 = arith.select %lt3A_95, %add3A_100, %while3A_74 : vector<512x1xi1>, vector<512x1xi32>
        scf.yield %select_n3A_96, %select_n3A_101 : vector<512x1xf32>, vector<512x1xi32>
      }
      %lt3A = arith.cmpf olt, %while3A_67#0, %scan3A_46 : vector<512x1xf32>
      %select_n3A = arith.select %lt3A, %while3A_67#0, %scan3A_46 : vector<512x1xi1>, vector<512x1xf32>
      %convert_element_type3A_68 = arith.truncf %select_n3A : vector<512x1xf32> to vector<512x1xbf16>
      %convert_element_type3A_69 = arith.extf %convert_element_type3A_68 : vector<512x1xbf16> to vector<512x1xf32>
      %select_n3A_70 = arith.select %lt3A, %while3A_67#1, %scan3A_47 : vector<512x1xi1>, vector<512x1xi32>
      %select_n3A_71 = arith.select %lt3A, %while3A_67#0, %scan3A_48 : vector<512x1xi1>, vector<512x1xf32>
      scf.yield %convert_element_type3A_69, %select_n3A_70, %select_n3A_71 : vector<512x1xf32>, vector<512x1xi32>, vector<512x1xf32>
    }
    %scan3A_39 = arith.constant 2 : i32
    %swap3A = arith.constant 0 : index
    %swap3A_40 = arith.constant 0 : index
    %swap3A_41 = vector.load %arg3[%swap3A, %swap3A_40] : memref<512x1xi32, #tpu.memory_space<vmem>>, vector<512x1xi32>
    tpu.vector_store %arg3[%swap3A, %swap3A_40], %scan3A_38#1 {strides = array<i32>} : memref<512x1xi32, #tpu.memory_space<vmem>>, vector<512x1xi32>,
    %swap3A_42 = arith.constant 0 : index
    %swap3A_43 = arith.constant 0 : index
    %swap3A_44 = vector.load %arg4[%swap3A_42, %swap3A_43] : memref<512x1xf32, #tpu.memory_space<vmem>>, vector<512x1xf32>
    tpu.vector_store %arg4[%swap3A_42, %swap3A_43], %scan3A_38#2 {strides = array<i32>} : memref<512x1xf32, #tpu.memory_space<vmem>>, vector<512x1xf32>,
    return
  }
  func.func @transform_0(%arg0: i32) -> (i32, i32) {
    %c0_i32 = arith.constant 0 : i32
    %c0_i32_0 = arith.constant 0 : i32
    return %arg0, %c0_i32 : i32, i32
  }
  func.func @transform_1(%arg0: i32) -> (i32, i32) {
    %c0_i32 = arith.constant 0 : i32
    %c0_i32_0 = arith.constant 0 : i32
    %c0_i32_1 = arith.constant 0 : i32
    return %c0_i32, %c0_i32_0 : i32, i32
  }
  func.func @transform_2(%arg0: i32) -> (i32, i32) {
    %c0_i32 = arith.constant 0 : i32
    %c0_i32_0 = arith.constant 0 : i32
    return %arg0, %c0_i32 : i32, i32
  }
  func.func @transform_3(%arg0: i32) -> (i32, i32) {
    %c0_i32 = arith.constant 0 : i32
    %c0_i32_0 = arith.constant 0 : i32
    return %arg0, %c0_i32 : i32, i32
  }
}

module attributes {stable_mosaic.version = 14 : i64} {
  func.func @_head_body(%arg0: memref<16x16384xf32, #tpu.memory_space<vmem>>, %arg1: memref<128x128xf32, #tpu.memory_space<vmem>>, %arg2: memref<8192x64xf32, #tpu.memory_space<vmem>>, %arg3: memref<1x64xf32, #tpu.memory_space<vmem>>, %arg4: memref<1x64xf32, #tpu.memory_space<vmem>>, %arg5: memref<1x64xf32, #tpu.memory_space<vmem>>, %arg6: memref<64x64xf32, #tpu.memory_space<vmem>>, %arg7: memref<1x64xf32, #tpu.memory_space<vmem>>, %arg8: memref<1x64xf32, #tpu.memory_space<vmem>>, %arg9: memref<1x64xf32, #tpu.memory_space<vmem>>, %arg10: memref<1024x64xf32, #tpu.memory_space<vmem>>, %arg11: memref<16x64xf32, #tpu.memory_space<vmem>>, %arg12: memref<1x1xf32, #tpu.memory_space<vmem>>, %arg13: memref<16x1xi32, #tpu.memory_space<vmem>>) attributes {dimension_semantics = [], scalar_prefetch = 0 : i64, scratch_operands = 0 : i64, tpu.core_type = #tpu.core_type<tc>} {
    %get3A = arith.constant 0 : index
    %get3A_0 = arith.constant 0 : index
    %get3A_1 = vector.load %arg0[%get3A, %get3A_0] : memref<16x16384xf32, #tpu.memory_space<vmem>>, vector<16x16384xf32>
    %slice3A = vector.extract_strided_slice %get3A_1 {offsets = [0, 0], sizes = [16, 8192], strides = [1, 1]} : vector<16x16384xf32> to vector<16x8192xf32>
    %slice3A_2 = vector.extract_strided_slice %get3A_1 {offsets = [0, 8192], sizes = [16, 8192], strides = [1, 1]} : vector<16x16384xf32> to vector<16x8192xf32>
    %add3A = arith.addf %slice3A, %slice3A_2 : vector<16x8192xf32>
    %mul3A = arith.constant 9.765625E-4 : f32
    %mul3A_3 = vector.broadcast %mul3A : f32 to vector<16x8192xf32>
    %mul3A_4 = arith.mulf %add3A, %mul3A_3 : vector<16x8192xf32>
    %get3A_5 = arith.constant 0 : index
    %get3A_6 = arith.constant 0 : index
    %get3A_7 = vector.load %arg2[%get3A_5, %get3A_6] : memref<8192x64xf32, #tpu.memory_space<vmem>>, vector<8192x64xf32>
    %dot_general3A = arith.constant dense<0.000000e+00> : vector<16x64xf32>
    %dot_general3A_8 = tpu.matmul %mul3A_4, %get3A_7, %dot_general3A {dimension_numbers = #tpu.dot_dimension_numbers<[1], [0], [0], [1], [0, 0, 1, 1], [], []>, transpose_lhs_hint = false} : vector<16x8192xf32>, vector<8192x64xf32>, vector<16x64xf32> -> vector<16x64xf32>
    %get3A_9 = arith.constant 0 : index
    %get3A_10 = arith.constant 0 : index
    %get3A_11 = vector.load %arg3[%get3A_9, %get3A_10] : memref<1x64xf32, #tpu.memory_space<vmem>>, vector<1x64xf32>
    %add3A_12 = vector.broadcast %get3A_11 : vector<1x64xf32> to vector<16x64xf32>
    %add3A_13 = arith.addf %dot_general3A_8, %add3A_12 : vector<16x64xf32>
    %get3A_14 = arith.constant 0 : index
    %get3A_15 = arith.constant 0 : index
    %get3A_16 = vector.load %arg4[%get3A_14, %get3A_15] : memref<1x64xf32, #tpu.memory_space<vmem>>, vector<1x64xf32>
    %get3A_17 = arith.constant 0 : index
    %get3A_18 = arith.constant 0 : index
    %get3A_19 = vector.load %arg5[%get3A_17, %get3A_18] : memref<1x64xf32, #tpu.memory_space<vmem>>, vector<1x64xf32>
    %reduce_sum3A = arith.constant dense<0.000000e+00> : vector<16xf32>
    %reduce_sum3A_20 = vector.multi_reduction <add>, %add3A_13, %reduce_sum3A [1] : vector<16x64xf32> to vector<16xf32>
    %broadcast_in_dim3A = vector.shape_cast %reduce_sum3A_20 : vector<16xf32> to vector<16x1xf32>
    %div3A = arith.constant 6.400000e+01 : f32
    %div3A_21 = vector.broadcast %div3A : f32 to vector<16x1xf32>
    %div3A_22 = arith.divf %broadcast_in_dim3A, %div3A_21 : vector<16x1xf32>
    %sub3A = vector.broadcast %div3A_22 : vector<16x1xf32> to vector<16x64xf32>
    %sub3A_23 = arith.subf %add3A_13, %sub3A : vector<16x64xf32>
    %integer_pow3A = arith.mulf %sub3A_23, %sub3A_23 : vector<16x64xf32>
    %reduce_sum3A_24 = arith.constant dense<0.000000e+00> : vector<16xf32>
    %reduce_sum3A_25 = vector.multi_reduction <add>, %integer_pow3A, %reduce_sum3A_24 [1] : vector<16x64xf32> to vector<16xf32>
    %broadcast_in_dim3A_26 = vector.shape_cast %reduce_sum3A_25 : vector<16xf32> to vector<16x1xf32>
    %div3A_27 = arith.constant 6.400000e+01 : f32
    %div3A_28 = vector.broadcast %div3A_27 : f32 to vector<16x1xf32>
    %div3A_29 = arith.divf %broadcast_in_dim3A_26, %div3A_28 : vector<16x1xf32>
    %sub3A_30 = vector.broadcast %div3A_22 : vector<16x1xf32> to vector<16x64xf32>
    %sub3A_31 = arith.subf %add3A_13, %sub3A_30 : vector<16x64xf32>
    %add3A_32 = arith.constant 9.99999974E-6 : f32
    %add3A_33 = vector.broadcast %add3A_32 : f32 to vector<16x1xf32>
    %add3A_34 = arith.addf %div3A_29, %add3A_33 : vector<16x1xf32>
    %sqrt3A = math.sqrt %add3A_34 : vector<16x1xf32>
    %div3A_35 = vector.broadcast %sqrt3A : vector<16x1xf32> to vector<16x64xf32>
    %div3A_36 = arith.divf %sub3A_31, %div3A_35 : vector<16x64xf32>
    %mul3A_37 = vector.broadcast %get3A_16 : vector<1x64xf32> to vector<16x64xf32>
    %mul3A_38 = arith.mulf %div3A_36, %mul3A_37 : vector<16x64xf32>
    %add3A_39 = vector.broadcast %get3A_19 : vector<1x64xf32> to vector<16x64xf32>
    %add3A_40 = arith.addf %mul3A_38, %add3A_39 : vector<16x64xf32>
    %max3A = arith.constant 0.000000e+00 : f32
    %max3A_41 = vector.broadcast %max3A : f32 to vector<16x64xf32>
    %max3A_42 = arith.maximumf %add3A_40, %max3A_41 : vector<16x64xf32>
    %get3A_43 = arith.constant 0 : index
    %get3A_44 = arith.constant 0 : index
    %get3A_45 = vector.load %arg6[%get3A_43, %get3A_44] : memref<64x64xf32, #tpu.memory_space<vmem>>, vector<64x64xf32>
    %dot_general3A_46 = arith.constant dense<0.000000e+00> : vector<16x64xf32>
    %dot_general3A_47 = tpu.matmul %max3A_42, %get3A_45, %dot_general3A_46 {dimension_numbers = #tpu.dot_dimension_numbers<[1], [0], [0], [1], [0, 0, 1, 1], [], []>, transpose_lhs_hint = false} : vector<16x64xf32>, vector<64x64xf32>, vector<16x64xf32> -> vector<16x64xf32>
    %get3A_48 = arith.constant 0 : index
    %get3A_49 = arith.constant 0 : index
    %get3A_50 = vector.load %arg7[%get3A_48, %get3A_49] : memref<1x64xf32, #tpu.memory_space<vmem>>, vector<1x64xf32>
    %add3A_51 = vector.broadcast %get3A_50 : vector<1x64xf32> to vector<16x64xf32>
    %add3A_52 = arith.addf %dot_general3A_47, %add3A_51 : vector<16x64xf32>
    %get3A_53 = arith.constant 0 : index
    %get3A_54 = arith.constant 0 : index
    %get3A_55 = vector.load %arg8[%get3A_53, %get3A_54] : memref<1x64xf32, #tpu.memory_space<vmem>>, vector<1x64xf32>
    %get3A_56 = arith.constant 0 : index
    %get3A_57 = arith.constant 0 : index
    %get3A_58 = vector.load %arg9[%get3A_56, %get3A_57] : memref<1x64xf32, #tpu.memory_space<vmem>>, vector<1x64xf32>
    %reduce_sum3A_59 = arith.constant dense<0.000000e+00> : vector<16xf32>
    %reduce_sum3A_60 = vector.multi_reduction <add>, %add3A_52, %reduce_sum3A_59 [1] : vector<16x64xf32> to vector<16xf32>
    %broadcast_in_dim3A_61 = vector.shape_cast %reduce_sum3A_60 : vector<16xf32> to vector<16x1xf32>
    %div3A_62 = arith.constant 6.400000e+01 : f32
    %div3A_63 = vector.broadcast %div3A_62 : f32 to vector<16x1xf32>
    %div3A_64 = arith.divf %broadcast_in_dim3A_61, %div3A_63 : vector<16x1xf32>
    %sub3A_65 = vector.broadcast %div3A_64 : vector<16x1xf32> to vector<16x64xf32>
    %sub3A_66 = arith.subf %add3A_52, %sub3A_65 : vector<16x64xf32>
    %integer_pow3A_67 = arith.mulf %sub3A_66, %sub3A_66 : vector<16x64xf32>
    %reduce_sum3A_68 = arith.constant dense<0.000000e+00> : vector<16xf32>
    %reduce_sum3A_69 = vector.multi_reduction <add>, %integer_pow3A_67, %reduce_sum3A_68 [1] : vector<16x64xf32> to vector<16xf32>
    %broadcast_in_dim3A_70 = vector.shape_cast %reduce_sum3A_69 : vector<16xf32> to vector<16x1xf32>
    %div3A_71 = arith.constant 6.400000e+01 : f32
    %div3A_72 = vector.broadcast %div3A_71 : f32 to vector<16x1xf32>
    %div3A_73 = arith.divf %broadcast_in_dim3A_70, %div3A_72 : vector<16x1xf32>
    %sub3A_74 = vector.broadcast %div3A_64 : vector<16x1xf32> to vector<16x64xf32>
    %sub3A_75 = arith.subf %add3A_52, %sub3A_74 : vector<16x64xf32>
    %add3A_76 = arith.constant 9.99999974E-6 : f32
    %add3A_77 = vector.broadcast %add3A_76 : f32 to vector<16x1xf32>
    %add3A_78 = arith.addf %div3A_73, %add3A_77 : vector<16x1xf32>
    %sqrt3A_79 = math.sqrt %add3A_78 : vector<16x1xf32>
    %div3A_80 = vector.broadcast %sqrt3A_79 : vector<16x1xf32> to vector<16x64xf32>
    %div3A_81 = arith.divf %sub3A_75, %div3A_80 : vector<16x64xf32>
    %mul3A_82 = vector.broadcast %get3A_55 : vector<1x64xf32> to vector<16x64xf32>
    %mul3A_83 = arith.mulf %div3A_81, %mul3A_82 : vector<16x64xf32>
    %add3A_84 = vector.broadcast %get3A_58 : vector<1x64xf32> to vector<16x64xf32>
    %add3A_85 = arith.addf %mul3A_83, %add3A_84 : vector<16x64xf32>
    %get3A_86 = arith.constant 0 : index
    %get3A_87 = arith.constant 0 : index
    %get3A_88 = vector.load %arg10[%get3A_86, %get3A_87] : memref<1024x64xf32, #tpu.memory_space<vmem>>, vector<1024x64xf32>
    %mul3A_89 = arith.mulf %add3A_85, %add3A_85 : vector<16x64xf32>
    %reduce_sum3A_90 = arith.constant dense<0.000000e+00> : vector<16xf32>
    %reduce_sum3A_91 = vector.multi_reduction <add>, %mul3A_89, %reduce_sum3A_90 [1] : vector<16x64xf32> to vector<16xf32>
    %broadcast_in_dim3A_92 = vector.shape_cast %reduce_sum3A_91 : vector<16xf32> to vector<16x1xf32>
    %broadcast_in_dim3A_93 = arith.constant 1.000000e+00 : f32
    %broadcast_in_dim3A_94 = vector.broadcast %broadcast_in_dim3A_93 : f32 to vector<1x64xf32>
    %mul3A_95 = arith.mulf %get3A_88, %get3A_88 : vector<1024x64xf32>
    %dot_general3A_96 = arith.constant dense<0.000000e+00> : vector<1x1024xf32>
    %dot_general3A_97 = tpu.matmul %broadcast_in_dim3A_94, %mul3A_95, %dot_general3A_96 {dimension_numbers = #tpu.dot_dimension_numbers<[1], [1], [0], [0], [0, 0, 1, 0], [], []>, transpose_lhs_hint = false} : vector<1x64xf32>, vector<1024x64xf32>, vector<1x1024xf32> -> vector<1x1024xf32>
    %dot_general3A_98 = arith.constant dense<0.000000e+00> : vector<16x1024xf32>
    %dot_general3A_99 = tpu.matmul %add3A_85, %get3A_88, %dot_general3A_98 {dimension_numbers = #tpu.dot_dimension_numbers<[1], [1], [0], [0], [0, 0, 1, 0], [], []>, transpose_lhs_hint = false} : vector<16x64xf32>, vector<1024x64xf32>, vector<16x1024xf32> -> vector<16x1024xf32>
    %add3A_100 = vector.broadcast %broadcast_in_dim3A_92 : vector<16x1xf32> to vector<16x1024xf32>
    %add3A_101 = vector.broadcast %dot_general3A_97 : vector<1x1024xf32> to vector<16x1024xf32>
    %add3A_102 = arith.addf %add3A_100, %add3A_101 : vector<16x1024xf32>
    %mul3A_103 = arith.constant 2.000000e+00 : f32
    %mul3A_104 = vector.broadcast %mul3A_103 : f32 to vector<16x1024xf32>
    %mul3A_105 = arith.mulf %mul3A_104, %dot_general3A_99 : vector<16x1024xf32>
    %sub3A_106 = arith.subf %add3A_102, %mul3A_105 : vector<16x1024xf32>
    %reduce_min3A = arith.constant dense<0x7F800000> : vector<16xf32>
    %reduce_min3A_107 = vector.multi_reduction <minimumf>, %sub3A_106, %reduce_min3A [1] : vector<16x1024xf32> to vector<16xf32>
    %broadcast_in_dim3A_108 = vector.shape_cast %reduce_min3A_107 : vector<16xf32> to vector<16x1xf32>
    %iota3A = tpu.iota {dimensions = array<i32: 1>} : vector<16x1024xi32>
    %eq3A = vector.broadcast %broadcast_in_dim3A_108 : vector<16x1xf32> to vector<16x1024xf32>
    %eq3A_109 = arith.cmpf oeq, %sub3A_106, %eq3A : vector<16x1024xf32>
    %jit3A = arith.constant 1024 : i32
    %broadcast_in_dim3A_110 = vector.broadcast %jit3A : i32 to vector<16x1024xi32>
    %select_n3A = arith.select %eq3A_109, %iota3A, %broadcast_in_dim3A_110 : vector<16x1024xi1>, vector<16x1024xi32>
    %reduce_min3A_111 = arith.constant dense<2147483647> : vector<16xi32>
    %reduce_min3A_112 = vector.multi_reduction <minsi>, %select_n3A, %reduce_min3A_111 [1] : vector<16x1024xi32> to vector<16xi32>
    %broadcast_in_dim3A_113 = vector.shape_cast %reduce_min3A_112 : vector<16xi32> to vector<16x1xi32>
    %eq3A_114 = vector.broadcast %broadcast_in_dim3A_113 : vector<16x1xi32> to vector<16x1024xi32>
    %eq3A_115 = arith.cmpi eq, %iota3A, %eq3A_114 : vector<16x1024xi32>
    %convert_element_type3A = arith.extui %eq3A_115 : vector<16x1024xi1> to vector<16x1024xi32>
    %convert_element_type3A_116 = arith.sitofp %convert_element_type3A : vector<16x1024xi32> to vector<16x1024xf32>
    %dot_general3A_117 = arith.constant dense<0.000000e+00> : vector<16x64xf32>
    %dot_general3A_118 = tpu.matmul %convert_element_type3A_116, %get3A_88, %dot_general3A_117 {dimension_numbers = #tpu.dot_dimension_numbers<[1], [0], [0], [1], [0, 0, 1, 1], [], []>, transpose_lhs_hint = false} : vector<16x1024xf32>, vector<1024x64xf32>, vector<16x64xf32> -> vector<16x64xf32>
    %sub3A_119 = arith.subf %dot_general3A_118, %add3A_85 : vector<16x64xf32>
    %mul3A_120 = arith.mulf %sub3A_119, %sub3A_119 : vector<16x64xf32>
    %reduce_sum3A_121 = vector.shape_cast %mul3A_120 : vector<16x64xf32> to vector<1x16x64xf32>
    %reduce_sum3A_122 = arith.constant dense<0.000000e+00> : vector<1xf32>
    %reduce_sum3A_123 = vector.multi_reduction <add>, %reduce_sum3A_121, %reduce_sum3A_122 [1, 2] : vector<1x16x64xf32> to vector<1xf32>
    %reduce_sum3A_124 = vector.shape_cast %reduce_sum3A_123 : vector<1xf32> to vector<1x1x1xf32>
    %reduce_sum3A_125 = vector.extract %reduce_sum3A_124[0, 0, 0] : f32 from vector<1x1x1xf32>
    %mul3A_126 = arith.constant 9.765625E-4 : f32
    %mul3A_127 = arith.mulf %reduce_sum3A_125, %mul3A_126 : f32
    %mul3A_128 = arith.constant 2.500000e-01 : f32
    %mul3A_129 = arith.mulf %mul3A_128, %mul3A_127 : f32
    %add3A_130 = arith.addf %mul3A_127, %mul3A_129 : f32
    %get3A_131 = arith.constant 0 : index
    %get3A_132 = arith.constant 0 : index
    %get3A_133 = vector.load %arg1[%get3A_131, %get3A_132] : memref<128x128xf32, #tpu.memory_space<vmem>>, vector<128x128xf32>
    %reduce_sum3A_134 = vector.shape_cast %get3A_133 : vector<128x128xf32> to vector<1x128x128xf32>
    %reduce_sum3A_135 = arith.constant dense<0.000000e+00> : vector<1xf32>
    %reduce_sum3A_136 = vector.multi_reduction <add>, %reduce_sum3A_134, %reduce_sum3A_135 [1, 2] : vector<1x128x128xf32> to vector<1xf32>
    %reduce_sum3A_137 = vector.shape_cast %reduce_sum3A_136 : vector<1xf32> to vector<1x1x1xf32>
    %reduce_sum3A_138 = vector.extract %reduce_sum3A_137[0, 0, 0] : f32 from vector<1x1x1xf32>
    %mul3A_139 = arith.constant 9.53674316E-7 : f32
    %mul3A_140 = arith.mulf %reduce_sum3A_138, %mul3A_139 : f32
    %mul3A_141 = arith.constant 2.500000e-01 : f32
    %mul3A_142 = arith.mulf %mul3A_141, %mul3A_140 : f32
    %add3A_143 = arith.addf %mul3A_140, %mul3A_142 : f32
    %add3A_144 = arith.addf %add3A_143, %add3A_130 : f32
    %sub3A_145 = arith.subf %dot_general3A_118, %add3A_85 : vector<16x64xf32>
    %add3A_146 = arith.addf %add3A_85, %sub3A_145 : vector<16x64xf32>
    %swap3A = arith.constant 0 : index
    %swap3A_147 = arith.constant 0 : index
    %swap3A_148 = vector.load %arg11[%swap3A, %swap3A_147] : memref<16x64xf32, #tpu.memory_space<vmem>>, vector<16x64xf32>
    tpu.vector_store %arg11[%swap3A, %swap3A_147], %add3A_146 {strides = array<i32>} : memref<16x64xf32, #tpu.memory_space<vmem>>, vector<16x64xf32>,
    %reshape3A = vector.broadcast %add3A_144 : f32 to vector<1x1xf32>
    %swap3A_149 = arith.constant 0 : index
    %swap3A_150 = arith.constant 0 : index
    %swap3A_151 = vector.load %arg12[%swap3A_149, %swap3A_150] : memref<1x1xf32, #tpu.memory_space<vmem>>, vector<1x1xf32>
    tpu.vector_store %arg12[%swap3A_149, %swap3A_150], %reshape3A {strides = array<i32>} : memref<1x1xf32, #tpu.memory_space<vmem>>, vector<1x1xf32>,
    %swap3A_152 = arith.constant 0 : index
    %swap3A_153 = arith.constant 0 : index
    %swap3A_154 = vector.load %arg13[%swap3A_152, %swap3A_153] : memref<16x1xi32, #tpu.memory_space<vmem>>, vector<16x1xi32>
    tpu.vector_store %arg13[%swap3A_152, %swap3A_153], %broadcast_in_dim3A_113 {strides = array<i32>} : memref<16x1xi32, #tpu.memory_space<vmem>>, vector<16x1xi32>,
    return
  }
}

</mosaic_0001>

<sc_bundles>
// kernel: kernel.5.cloned.1.call-start
scs
__scs_entry_jumppad:
0x0: {  	(pc) =	sbr.rel $0x88, $3  }
0x1: {  	(tag) =	ssettag $0x0;
	lr =	simm.s32 $0x1  }
0x2: {  	[smem:$0x3F96] =	sst lr;
	_ =	strace $0xD0000000  }
0x3: {  	_ = 	snop  }
0x4: {  	_ = 	snop  }
0x5: {  	_ = 	snop  }
0x6: {  	_ = 	snop  }
0x7: {  	_ = 	snop  }
__scs_overlays_trampoline_lowered:
0x8: {  	[smem:$0x3FA5] =	sst s0  }
0x9: {  	[smem:$0x3FA6] =	sst s1  }
0xa: {  	[smem:$0x3FA7] =	sst s2  }
0xb: {  	[smem:$0x3FA8] =	sst s3  }
0xc: {  	[smem:$0x3FA9] =	sst s4  }
0xd: {  	[smem:$0x3FAA] =	sst s5  }
0xe: {  	[smem:$0x3FAB] =	sst s6  }
0xf: {  	[smem:$0x3FAC] =	sst s7  }
0x10: {  	[smem:$0x3FAD] =	sst s8  }
0x11: {  	[smem:$0x3FAE] =	sst s9;
	s0 =	simm.s32 @!p0 $0x0  }
0x12: {  	s1 =	sld [smem:$0x3F94];
	s0 =	simm.s32 @p0 $0x1  }
0x13: {  	[smem:$0x3FAF] =	sst s0;
	s0 =	simm.s32 @!p1 $0x0  }
0x14: {  	s2 =	sld [smem:$0x3F93];
	s0 =	simm.s32 @p1 $0x1  }
0x15: {  	[smem:$0x3FB0] =	sst s0;
	s0 =	simm.s32 @!p2 $0x0  }
0x16: {  	s3 =	sld [smem:$0x3FDB];
	s0 =	simm.s32 @p2 $0x1  }
0x17: {  	s4 =	simm.s32 $0x1BF5;
	[smem:$0x3FB2] =	sst s0  }
0x18: {  	s0 =	sld [smem:$0x3F95];
	_ =	swait.ge [sflag:s4], $0x0  }
0x19: {  	s7 =	sld [smem:$0x3F96]  }
0x1a: {  	s8 =	sadd.s32 $0xFFFFE003, lr  }
0x1b: {  	s9 =	sadd.s32 $0xFFFFFEF7, lr;
	s5 =	simm.s32 $0xFFFFFFFF;
	p2 =	slt.u32 s8, $0xFFFFF086  }
0x1c: {  	p1 =	slt.u32 s9, $0xF7A;
	s5 =	simm.s32 @!p2 $0x0  }
0x1d: {  	s5 =	simm.s32 @p1 $0x1;
	p0 =	seq.s32 s7, s2  }
0x1e: {  	s7 =	smul.u32 @!p0 $0xF7A, s2;
	p2 =	seq.s32 @!p0 s5, $0x0  }
0x1f: {  	s9 =	smul.u32 $0xF7A, s1;
	s8 =	simm.s32 @!p0 $0x1BF5;
	p2 =	por !p2, p0  }
0x20: {  	[sflag:s8] =	ssyncset.s32 @!p0 $0xFFFFF086;
	s6 =	sadd.s32 @!p0 s3, s7;
	s7 =	simm.s32 @!p0 $0x108  }
0x21: {  	s3 =	sadd.s32 s3, s9;
	s6 =	sadd.s32 @!p0 $0x88, s6;
	s7 =	simm.s32 @p2 $0x1082  }
0x22: {  	[simem:s7], [sflag:s8] =	dma.local @!p0 [hbm:s6], $0xF7A  }
0x23: {  	s9 =	sor.u32 $0xD0000000, s2;
	s6 =	simm.s32 $0x108;
	_ =	swait.ge @!p0 [sflag:s8], $0x0  }
0x24: {  	s3 =	sadd.s32 $0x88, s3;
	s6 =	simm.s32 @!p1 $0x1082;
	[sflag:s4] =	ssyncset.s32 $0xFFFFF086  }
0x25: {  	[simem:s6], [sflag:s4] =	dma.local [hbm:s3], $0xF7A  }
0x26: {  	[smem:$0x3F96] =	sst s1;
	(tag) =	ssettag s2;
	_ =	strace s9  }
0x27: {  	s1 =	sld [smem:$0x3FA6]  }
0x28: {  	s2 =	sld [smem:$0x3FA7]  }
0x29: {  	s4 =	sld [smem:$0x3FA9]  }
0x2a: {  	p0 =	seq.s32 s5, $0x0;
	s5 =	sld [smem:$0x3FAA]  }
0x2b: {  	s6 =	sld [smem:$0x3FAB]  }
0x2c: {  	s7 =	sld [smem:$0x3FAC]  }
0x2d: {  	s3 =	simm.s32 $0x108;
	s8 =	sld [smem:$0x3FAD]  }
0x2e: {  	s3 =	simm.s32 @!p0 $0x1082;
	s9 =	sld [smem:$0x3FAE]  }
0x2f: {  	lr =	sadd.s32 s0, s3;
	s0 =	sld [smem:$0x3FA5]  }
0x30: {  	s3 =	sld [smem:$0x3FA8]  }
0x31: {  	[smem:$0x3FB1] =	sst s10  }
0x32: {  	s10 =	sld [smem:$0x3FAF];
	_ =	sdelay $0x3  }
0x33: {  	p0 =	seq.s32 s10, $0x1;
	s10 =	sld [smem:$0x3FB1];
	_ =	sdelay $0x3  }
0x34: {  	[smem:$0x3FB1] =	sst s10  }
0x35: {  	s10 =	sld [smem:$0x3FB0];
	_ =	sdelay $0x3  }
0x36: {  	p1 =	seq.s32 s10, $0x1;
	s10 =	sld [smem:$0x3FB1];
	_ =	sdelay $0x3  }
0x37: {  	[smem:$0x3FB1] =	sst s10  }
0x38: {  	s10 =	sld [smem:$0x3FB2]  }
0x39: {  	_ = 	snop;
	(pc) =	sbr.ind lr, $3  }
0x3a: {  	_ = 	snop  }
0x3b: {  	_ = 	snop  }
0x3c: {  	p2 =	seq.s32 s10, $0x1;
	s10 =	sld [smem:$0x3FB1]  }
0x3d: {  	_ =	shalt  }
0x3e: {  	_ =	shalt  }
0x3f: {  	_ =	shalt  }
0x40: {  	_ =	shalt  }
0x41: {  	_ =	shalt  }
0x42: {  	_ =	shalt  }
0x43: {  	_ =	shalt  }
0x44: {  	_ =	shalt  }
0x45: {  	_ =	shalt  }
0x46: {  	_ =	shalt  }
0x47: {  	_ =	shalt  }
0x48: {  	_ =	shalt  }
0x49: {  	_ =	shalt  }
0x4a: {  	_ =	shalt  }
0x4b: {  	_ =	shalt  }
0x4c: {  	_ =	shalt  }
0x4d: {  	_ =	shalt  }
0x4e: {  	_ =	shalt  }
0x4f: {  	_ =	shalt  }
0x50: {  	_ =	shalt  }
0x51: {  	_ =	shalt  }
0x52: {  	_ =	shalt  }
0x53: {  	_ =	shalt  }
0x54: {  	_ =	shalt  }
0x55: {  	_ =	shalt  }
0x56: {  	_ =	shalt  }
0x57: {  	_ =	shalt  }
0x58: {  	_ =	shalt  }
0x59: {  	_ =	shalt  }
0x5a: {  	_ =	shalt  }
0x5b: {  	_ =	shalt  }
0x5c: {  	_ =	shalt  }
0x5d: {  	_ =	shalt  }
0x5e: {  	_ =	shalt  }
0x5f: {  	_ =	shalt  }
0x60: {  	_ =	shalt  }
0x61: {  	_ =	shalt  }
0x62: {  	_ =	shalt  }
0x63: {  	_ =	shalt  }
0x64: {  	_ =	shalt  }
0x65: {  	_ =	shalt  }
0x66: {  	_ =	shalt  }
0x67: {  	_ =	shalt  }
0x68: {  	_ =	shalt  }
0x69: {  	_ =	shalt  }
0x6a: {  	_ =	shalt  }
0x6b: {  	_ =	shalt  }
0x6c: {  	_ =	shalt  }
0x6d: {  	_ =	shalt  }
0x6e: {  	_ =	shalt  }
0x6f: {  	_ =	shalt  }
0x70: {  	_ =	shalt  }
0x71: {  	_ =	shalt  }
0x72: {  	_ =	shalt  }
0x73: {  	_ =	shalt  }
0x74: {  	_ =	shalt  }
0x75: {  	_ =	shalt  }
0x76: {  	_ =	shalt  }
0x77: {  	_ =	shalt  }
0x78: {  	_ =	shalt  }
0x79: {  	_ =	shalt  }
0x7a: {  	_ =	shalt  }
0x7b: {  	_ =	shalt  }
0x7c: {  	_ =	shalt  }
0x7d: {  	_ =	shalt  }
0x7e: {  	_ =	shalt  }
0x7f: {  	_ =	shalt  }
0x80: {  	_ =	shalt  }
0x81: {  	_ =	shalt  }
0x82: {  	_ =	shalt  }
0x83: {  	_ =	shalt  }
0x84: {  	_ =	shalt  }
0x85: {  	_ =	shalt  }
0x86: {  	_ =	shalt  }
0x87: {  	_ =	shalt  }
.Lfunc_end0:
.L_simem_size_0:
called_computation_lowered:
.L_overlay_start_0:
0x88: {  	s2 =	sld [smem:$0x3FD9]  }
0x89: {  	s3 =	sld [smem:$0x3FFE];
	_ =	sdelay $0x1  }
0x8a: {  	s1 =	srdreg.scid  }
0x8b: {  	s0 =	sand.u32 $0x1, s1  }
0x8c: {  	s14 =	sshll.u32 s0, $0xA;
	s2 =	sadd.s32 s3, s2  }
0x8d: {  	s2 =	sadd.s32 s2, s14  }
0x8e: {  	[smem:$0x3FBD] =	sst s2  }
0x8f: {  	_ = 	snop  }
0x90: {  	s2 =	sld [smem:$0x3FD0];
	_ =	sdelay $0x2  }
0x91: {  	s15 =	simm.s32 $0xA;
	s4 =	simm.s32 $0x10  }
0x92: {  	[smem:s4], [sflag:s15] =	dma.local [hbm:s2], $0x1  }
0x93: {  	_ =	swait.eq [sflag:s15], $0x1  }
0x94: {  	[sflag:s15] =	ssyncset.done $0x0  }
0x95: {  	[sflag:s15] =	ssyncadd.s32 $0xFFFFFFFF  }
0x96: {  	s16 =	sld [smem:$0x10];
	(tm) =	ssettm $0x1  }
0x97: {  	s17 =	sld [smem:$0x3FFB];
	_ =	sdelay $0x3  }
0x98: {  	_ =	strace s17  }
0x99: {  	s3 =	sld [smem:$0x3FFC];
	_ =	sdelay $0x3  }
0x9a: {  	_ =	strace s3  }
0x9b: {  	s3 =	sld [smem:$0x3FFD];
	_ =	sdelay $0x3  }
0x9c: {  	_ =	strace s3  }
0x9d: {  	_ =	strace $0x8FFFFFFF  }
0x9e: {  	s18 =	sld [smem:$0x3FDB];
	_ =	sdelay $0x1  }
0x9f: {  	s19 =	simm.s32 $_scs_section_size  }
0xa0: {  	s5 =	simm.s32 $_size__tile_overlayer_lowered;
	s6 =	simm.s32 $_tile_overlayer_lowered  }
0xa1: {  	s22 =	simm.s32 $0x1BFF;
	s21 =	sshll.u32 s6, $0x1;
	s3 =	sadd.s32 s19, s18  }
0xa2: {  	s7 =	simm.s32 $0x0;
	s20 =	sshll.u32 s5, $0x1;
	s5 =	sadd.s32 s21, s3  }
0xa3: {  	[timem:s7], [sflag:s22] =	dma.local [hbm:s5], s20  }
0xa4: {  	_ =	swait.ge [sflag:s22], s20  }
0xa5: {  	s4 =	ssub.s32 $0x0, s20;
	[sflag:s22] =	ssyncset.done $0x0  }
0xa6: {  	[sflag:s22] =	ssyncadd.s32 s4;
	_ =	sdelay $0x1  }
0xa7: {  	s23 =	simm.s32 $0x1B8B  }
0xa8: {  	_ =	swait.ge [sflag:s23], $0x1  }
0xa9: {  	[sflag:s23] =	ssyncset.done $0x0  }
0xaa: {  	s25 =	simm.s32 $0x1B8E;
	s24 =	sld [smem:$0x3FFE];
	[sflag:s23] =	ssyncadd.s32 $0xFFFFFFFF  }
0xab: {  	s26 =	simm.s32 $execute0_lowered;
	[smem:$0x3FD2] =	sst s25  }
0xac: {  	s5 =	sshll.u32 s26, $0x1;
	_ =	strace $0x80000046;
	[dreg:$0x1] =	wrdreg $0xFFFFFFFF  }
0xad: {  	s28 =	simm.s32 $_size_execute0_lowered;
	s3 =	sadd.s32 s3, s5;
	[dreg:$0x0] =	wrdreg $0x0  }
0xae: {  	s5 =	sshll.u32 s28, $0x1;
	[dreg:$0x2] =	wrdreg s3  }
0xaf: {  	[dreg:$0x3] =	wrdreg s5  }
0xb0: {  	[dreg:$0x4] =	wrdreg $0xC0  }
0xb1: {  	_ =	task [dreg:s7], $0x5FFFF  }
0xb2: {  	[dreg:$0x1] =	wrdreg $0xFFFFFFFF  }
0xb3: {  	[dreg:$0x0] =	wrdreg $0x60  }
0xb4: {  	[dreg:$0x2] =	wrdreg s16  }
0xb5: {  	[dreg:$0x3] =	wrdreg s24  }
0xb6: {  	[dreg:$0x4] =	wrdreg $0x9  }
0xb7: {  	_ =	task.clear_ibuf [dreg:s7], $0x5FFFF;
	_ =	strace $0x90000046  }
0xb8: {  	s29 =	simm.s32 $0x9;
	_ =	strace $0x80000048  }
0xb9: {  	_ =	swait.ge [sflag:s29], $0x1  }
0xba: {  	[sflag:s29] =	ssyncadd.s32 $0xFFFFFFFF  }
0xbb: {  	_ =	strace $0x90000048  }
0xbc: {  	_ =	sfence  }
0xbd: {  	s30 =	sld [smem:$0x0];
	_ =	sdelay $0x2  }
0xbe: {  	s31 =	sshll.u32 s1, $0xD;
	s1 =	sshrl.u32 s1, $0x2  }
0xbf: {  	s3 =	sand.u32 $0x4000, s31;
	s1 =	sadd.s32 s1, s30  }
0xc0: {  	s0 =	sor.u32 s3, s0;
	s1 =	sshll.u32 s1, $0x11  }
0xc1: {  	s0 =	sor.u32 s1, s0  }
0xc2: {  	s0 =	sadd.s32 $0x8F2B, s0  }
0xc3: {  	[sflag:s0] =	ssyncadd.remote.s32 $0x1  }
0xc4: {  	_ =	sfence.sel $0xFFFF  }
0xc5: {  	[dreg:$0x0] =	wrdreg $0xFFFFFFFF;
	(pc) =	sbr.abs _section_cstart, $3  }
0xc6: {  	[dreg:$0x1] =	wrdreg $0xFFFFFFFF  }
0xc7: {  	_ =	task.clear_ibuf [dreg:s7], $0x2FFFF;
	_ =	strace $0x9FFFFFFF  }
0xc8: {  	(tm) =	ssettm $0x7FFFFFFF  }
0xc9: {  	_ =	shalt  }
tec
execute0_lowered:
.L_overlay_start_1:
0x0: {  	(tag) =	ssettag $0x1  }
0x1: {  	s5 =	rddreg [dreg:$0x0];
	s1 =	srdreg.scid  }
0x2: {  	s0 =	stileid.u32;
	s4 =	rddreg [dreg:$0x1];
	s2 =	simm.s32 $0x0  }
0x3: {  	s12 =	simm.s32 $0x1;
	s13 =	simm.s32 $0x2200;
	s14 =	simm.s32 $0x100  }
0x4: {  	s15 =	simm.s32 $0x4200;
	s16 =	simm.s32 $0x180;
	s17 =	simm.s32 $0x6200  }
0x5: {  	s18 =	simm.s32 $0x8200;
	s19 =	simm.s32 $0x10200;
	s20 =	simm.s32 $0x0  }
0x6: {  	s6 =	sand.u32 $0x1, s1;
	s3 =	sshll.u32 s0, $0x1;
	[smem:$0x7FF] =	sst s2  }
0x7: {  	s1 =	rddreg [dreg:$0x2];
	s7 =	sor.u32 s6, s3;
	_ =	strace $0x80000047  }
0x8: {  	v0 =	vimm.f32 $0.0e+00;
	v1 =	vimm.f32 $1.000000000e+00;
	s3 =	sadd.s32 $0x1600, s4;
	s6 =	ssub.s32 $0x2, s6;
	s8 =	sshll.u32 s7, $0x6  }
0x9: {  	vm0 =	vcmask $0x704;
	vm1 =	vcmask $0xB08;
	vm14 =	vcmask $0x3F3C;
	s9 =	sshll.u32 s7, $0xC;
	s7 =	sshll.u32 s7, $0xA;
	s31 =	sshrl.u32 s6, $0x1  }
0xa: {  	vm2 =	vcmask $0xF0C;
	vm3 =	vcmask $0x1310;
	vm4 =	vcmask $0x1714;
	s8 =	sadd.s32 s8, s4;
	s10 =	sadd.s32 s9, s4;
	s7 =	sadd.s32 s7, s4  }
0xb: {  	vm5 =	vcmask $0x1B18;
	vm6 =	vcmask $0x1F1C;
	vm7 =	vcmask $0x2320;
	s11 =	ssub.s32 s6, s31;
	s5 =	sadd.s32 s5, s9;
	s9 =	simm.s32 $0x2  }
0xc: {  	vm8 =	vcmask $0x2724;
	vm9 =	vcmask $0x2B28;
	vm10 =	vcmask $0x2F2C;
	s4 =	sadd.s32 $0x11600, s8;
	s6 =	sadd.s32 $0x19E00, s10;
	s7 =	sadd.s32 $0x11E00, s7  }
0xd: {  	vm11 =	vcmask $0x3330;
	vm12 =	vcmask $0x3734;
	vm13 =	vcmask $0x3B38;
	s8 =	smax.u32 s11, $0x1;
	s10 =	simm.s32 $0x80;
	s11 =	simm.s32 $0x200  }
.LBB2_1:
0xe: {  	[tilespmem:s2], [sflag:$0x2] =	stream.linear.gather [hbm4b:s4+s2], $0x200, $0x38;
	[tilespmem:$0x12200] =	vst v63  }
0xf: {  	_ =	swait.ge [sflag:s9], $0x200  }
0x10: {  	[sflag:s9] =	ssyncset.done $0x0  }
0x11: {  	[sflag:s9] =	ssyncadd.s32 $0xFFFFFE00  }
0x12: {  	[tilespmem:s11], [sflag:$0x1] =	stream.indirect.gather [hbm4b:s3+s10], $0x40, s2, s10, $0xb8;
	[tilespmem:$0x12200] =	vst v63  }
0x13: {  	_ =	swait.ge [sflag:s12], $0x2000  }
0x14: {  	[sflag:s12] =	ssyncset.done $0x0  }
0x15: {  	[sflag:s12] =	ssyncadd.s32 $0xFFFFE000  }
0x16: {  	[tilespmem:s13], [sflag:$0x1] =	stream.indirect.gather [hbm4b:s3+s10], $0x40, s10, s10, $0xb8;
	[tilespmem:$0x12200] =	vst v63  }
0x17: {  	_ =	swait.ge [sflag:s12], $0x2000  }
0x18: {  	[sflag:s12] =	ssyncset.done $0x0  }
0x19: {  	[sflag:s12] =	ssyncadd.s32 $0xFFFFE000  }
0x1a: {  	[tilespmem:s15], [sflag:$0x1] =	stream.indirect.gather [hbm4b:s3+s10], $0x40, s14, s10, $0xb8;
	[tilespmem:$0x12200] =	vst v63  }
0x1b: {  	_ =	swait.ge [sflag:s12], $0x2000  }
0x1c: {  	[sflag:s12] =	ssyncset.done $0x0  }
0x1d: {  	[sflag:s12] =	ssyncadd.s32 $0xFFFFE000  }
0x1e: {  	[tilespmem:s17], [sflag:$0x1] =	stream.indirect.gather [hbm4b:s3+s10], $0x40, s16, s10, $0xb8;
	[tilespmem:$0x12200] =	vst v63  }
0x1f: {  	_ =	swait.ge [sflag:s12], $0x2000  }
0x20: {  	[sflag:s12] =	ssyncset.done $0x0  }
0x21: {  	[sflag:s12] =	ssyncadd.s32 $0xFFFFE000  }
0x22: {  	[tilespmem:s18], [sflag:$0x2] =	stream.linear.gather [hbm4b:s5+s2], $0x8000, $0x38;
	[tilespmem:$0x12200] =	vst v63  }
0x23: {  	_ =	swait.ge [sflag:s9], $0x8000  }
0x24: {  	[sflag:s9] =	ssyncset.done $0x0  }
0x25: {  	s21 =	simm.s32 $0x0;
	[sflag:s9] =	ssyncadd.s32 $0xFFFF8000  }
0x26: {  	v4 =	vld [tilespmem:s21+$0x8200]  }
0x27: {  	v5 =	vld [tilespmem:s21+$0x8210]  }
0x28: {  	v2 =	vld [tilespmem:s21+$0x8220]  }
0x29: {  	v3 =	vld [tilespmem:s21+$0x8230]  }
0x2a: {  	v6 =	vld [tilespmem:s21+$0x200]  }
0x2b: {  	v8 =	vld [tilespmem:s21+$0x210]  }
0x2c: {  	s22 =	simm.s32 $0x100;
	v7 =	vld [tilespmem:s21+$0x220]  }
.LBB2_2:
0x2d: {  	p0 =	sne.s32 s22, $0x1FF00;
	v9 =	vld [tilespmem:s21+$0x230];
	v10 =	vmov v2  }
0x2e: {  	v11 =	vmov v3  }
0x2f: {  	s23 =	sshra.s32 s22, $0x2;
	v2 =	vsub.f32 v6, v4  }
0x30: {  	v12 =	vld [tilespmem:s23+$0x8200];
	v3 =	vsub.f32 v8, v5  }
0x31: {  	v13 =	vld [tilespmem:s23+$0x8210];
	v4 =	vadd.f32 v2, v4;
	v6 =	vsub.f32 v7, v10  }
.Ltmp0:
0x32: {  	v2 =	vld [tilespmem:s23+$0x8220];
	v5 =	vadd.f32 v3, v5;
	v7 =	vsub.f32 v9, v11;
	(pc) =	sbr.rel @p0 .LBB2_2-.Ltmp0, $4  }
0x33: {  	v3 =	vld [tilespmem:s23+$0x8230];
	[tilespmem:s21+$0x200] =	vst v4;
	v9 =	vadd.f32 v6, v10  }
0x34: {  	v6 =	vld [tilespmem:s23+$0x200];
	[tilespmem:s21+$0x210] =	vst v5;
	v10 =	vadd.f32 v7, v11  }
0x35: {  	v8 =	vld [tilespmem:s23+$0x210];
	[tilespmem:s21+$0x220] =	vst v9;
	v4 =	vmov v12  }
0x36: {  	s22 =	sadd.s32 $0x100, s22;
	v7 =	vld [tilespmem:s23+$0x220];
	[tilespmem:s21+$0x230] =	vst v10;
	v5 =	vmov v13;
	s21 =	smov.u32 s23  }
0x37: {  	v9 =	vld [tilespmem:s21+$0x230];
	_ =	sdelay $0x1  }
0x38: {  	v6 =	vsub.f32 v6, v4  }
0x39: {  	v8 =	vsub.f32 v8, v5  }
0x3a: {  	v4 =	vadd.f32 v6, v4;
	v62 =	vsub.f32 v7, v2  }
0x3b: {  	v5 =	vadd.f32 v8, v5;
	v63 =	vsub.f32 v9, v3  }
0x3c: {  	[tilespmem:s21+$0x200] =	vst v4;
	v2 =	vadd.f32 v62, v2  }
0x3d: {  	[tilespmem:s21+$0x210] =	vst v5;
	v3 =	vadd.f32 v63, v3  }
0x3e: {  	[tilespmem:s21+$0x220] =	vst v2  }
0x3f: {  	s22 =	simm.s32 $0x40;
	s23 =	simm.s32 $0x0;
	[tilespmem:s21+$0x230] =	vst v3;
	s21 =	simm.s32 $0x0  }
.LBB2_4:
0x40: {  	p0 =	sne.s32 s22, $0x7FC0;
	[tilespmem:s23+$0x10200] =	vst v0;
	s23 =	smov.u32 s22;
	s22 =	sadd.s32 $0x40, s22  }
.Ltmp1:
0x41: {  	(pc) =	sbr.rel @p0 .LBB2_4-.Ltmp1, $2  }
0x42: {  	_ =	sdelay $0x2  }
0x43: {  	s23 =	sshra.s32 s23, $0x2  }
0x44: {  	s22 =	sand.u32 $0x600, s21  }
0x45: {  	s30 =	sand.u32 $0x70, s21;
	s22 =	sshrl.u32 s22, $0x2  }
0x46: {  	[tilespmem:s23+$0x10200] =	vst v0;
	s21 =	sor.u32 s30, s22  }
0x47: {  	v2 =	vld [tilespmem:s21+$0x0];
	_ =	sdelay $0x7  }
0x48: {  	[tilespmem:v2+s19+$0x0] =	vst.idx.add.f32.msk $0x1, v1  }
0x49: {  	[tilespmem:v2+s19+$0x0] =	vst.idx.add.f32.msk vm0, v1  }
0x4a: {  	[tilespmem:v2+s19+$0x0] =	vst.idx.add.f32.msk vm1, v1  }
0x4b: {  	[tilespmem:v2+s19+$0x0] =	vst.idx.add.f32.msk vm2, v1  }
0x4c: {  	[tilespmem:v2+s19+$0x0] =	vst.idx.add.f32.msk vm3, v1  }
0x4d: {  	[tilespmem:v2+s19+$0x0] =	vst.idx.add.f32.msk vm4, v1  }
0x4e: {  	[tilespmem:v2+s19+$0x0] =	vst.idx.add.f32.msk vm5, v1  }
0x4f: {  	[tilespmem:v2+s19+$0x0] =	vst.idx.add.f32.msk vm6, v1  }
0x50: {  	[tilespmem:v2+s19+$0x0] =	vst.idx.add.f32.msk vm7, v1  }
0x51: {  	[tilespmem:v2+s19+$0x0] =	vst.idx.add.f32.msk vm8, v1  }
0x52: {  	[tilespmem:v2+s19+$0x0] =	vst.idx.add.f32.msk vm9, v1  }
0x53: {  	[tilespmem:v2+s19+$0x0] =	vst.idx.add.f32.msk vm10, v1  }
0x54: {  	s31 =	simm.s32 $0x40;
	[tilespmem:v2+s19+$0x0] =	vst.idx.add.f32.msk vm11, v1  }
0x55: {  	s24 =	sand.u32 $0x600, s31;
	s21 =	simm.s32 $0x10;
	[tilespmem:v2+s19+$0x0] =	vst.idx.add.f32.msk vm12, v1  }
0x56: {  	s22 =	simm.s32 $0x80;
	s24 =	sshrl.u32 s24, $0x2;
	s23 =	sand.u32 $0x70, s21;
	[tilespmem:v2+s19+$0x0] =	vst.idx.add.f32.msk vm13, v1  }
.LBB2_6:
0x57: {  	p0 =	sne.s32 s22, $0x7C0  }
0x58: {  	s23 =	sor.u32 s23, s24;
	[tilespmem:v2+s19+$0x0] =	vst.idx.add.f32.msk vm14, v1;
	s24 =	smov.u32 s22;
	s22 =	sadd.s32 $0x40, s22  }
0x59: {  	v2 =	vld [tilespmem:s23+$0x0];
	_ =	sdelay $0x7  }
0x5a: {  	[tilespmem:v2+s19+$0x0] =	vst.idx.add.f32.msk $0x1, v1  }
0x5b: {  	[tilespmem:v2+s19+$0x0] =	vst.idx.add.f32.msk vm0, v1  }
0x5c: {  	[tilespmem:v2+s19+$0x0] =	vst.idx.add.f32.msk vm1, v1  }
0x5d: {  	[tilespmem:v2+s19+$0x0] =	vst.idx.add.f32.msk vm2, v1  }
0x5e: {  	[tilespmem:v2+s19+$0x0] =	vst.idx.add.f32.msk vm3, v1  }
0x5f: {  	[tilespmem:v2+s19+$0x0] =	vst.idx.add.f32.msk vm4, v1  }
0x60: {  	[tilespmem:v2+s19+$0x0] =	vst.idx.add.f32.msk vm5, v1  }
0x61: {  	[tilespmem:v2+s19+$0x0] =	vst.idx.add.f32.msk vm6, v1  }
0x62: {  	[tilespmem:v2+s19+$0x0] =	vst.idx.add.f32.msk vm7, v1  }
0x63: {  	[tilespmem:v2+s19+$0x0] =	vst.idx.add.f32.msk vm8, v1  }
.Ltmp2:
0x64: {  	[tilespmem:v2+s19+$0x0] =	vst.idx.add.f32.msk vm9, v1;
	(pc) =	sbr.rel @p0 .LBB2_6-.Ltmp2, $4  }
0x65: {  	[tilespmem:v2+s19+$0x0] =	vst.idx.add.f32.msk vm10, v1  }
0x66: {  	[tilespmem:v2+s19+$0x0] =	vst.idx.add.f32.msk vm11, v1  }
0x67: {  	s21 =	sadd.s32 $0x10, s21;
	s24 =	sand.u32 $0x600, s24;
	[tilespmem:v2+s19+$0x0] =	vst.idx.add.f32.msk vm12, v1  }
0x68: {  	s23 =	sand.u32 $0x70, s21;
	s24 =	sshrl.u32 s24, $0x2;
	[tilespmem:v2+s19+$0x0] =	vst.idx.add.f32.msk vm13, v1  }
0x69: {  	_ =	sdelay $0x4  }
0x6a: {  	s21 =	sor.u32 s23, s24;
	[tilespmem:v2+s19+$0x0] =	vst.idx.add.f32.msk vm14, v1  }
0x6b: {  	v2 =	vld [tilespmem:s21+$0x0];
	_ =	sdelay $0x7  }
0x6c: {  	[tilespmem:v2+s19+$0x0] =	vst.idx.add.f32.msk $0x1, v1  }
0x6d: {  	[tilespmem:v2+s19+$0x0] =	vst.idx.add.f32.msk vm0, v1  }
0x6e: {  	[tilespmem:v2+s19+$0x0] =	vst.idx.add.f32.msk vm1, v1  }
0x6f: {  	[tilespmem:v2+s19+$0x0] =	vst.idx.add.f32.msk vm2, v1  }
0x70: {  	[tilespmem:v2+s19+$0x0] =	vst.idx.add.f32.msk vm3, v1  }
0x71: {  	[tilespmem:v2+s19+$0x0] =	vst.idx.add.f32.msk vm4, v1  }
0x72: {  	[tilespmem:v2+s19+$0x0] =	vst.idx.add.f32.msk vm5, v1  }
0x73: {  	[tilespmem:v2+s19+$0x0] =	vst.idx.add.f32.msk vm6, v1  }
0x74: {  	[tilespmem:v2+s19+$0x0] =	vst.idx.add.f32.msk vm7, v1  }
0x75: {  	[tilespmem:v2+s19+$0x0] =	vst.idx.add.f32.msk vm8, v1  }
0x76: {  	[tilespmem:v2+s19+$0x0] =	vst.idx.add.f32.msk vm9, v1  }
0x77: {  	[tilespmem:v2+s19+$0x0] =	vst.idx.add.f32.msk vm10, v1  }
0x78: {  	[tilespmem:v2+s19+$0x0] =	vst.idx.add.f32.msk vm11, v1  }
0x79: {  	[tilespmem:v2+s19+$0x0] =	vst.idx.add.f32.msk vm12, v1  }
0x7a: {  	[tilespmem:v2+s19+$0x0] =	vst.idx.add.f32.msk vm13, v1  }
0x7b: {  	[tilespmem:v2+s19+$0x0] =	vst.idx.add.f32.msk vm14, v1  }
0x7c: {  	[hbm4b:s6+s2] =	stream.linear.scatter [tilespmem:s11], [sflag:$0x2], $0x8000, $0x38;
	[tilespmem:$0x12200] =	vst v63  }
0x7d: {  	s20 =	sadd.s32 $0x1, s20;
	_ =	swait.ge [sflag:s9], $0x8000  }
0x7e: {  	p0 =	sne.s32 s20, s8;
	[sflag:s9] =	ssyncset.done $0x0  }
.Ltmp3:
0x7f: {  	[sflag:s9] =	ssyncadd.s32 $0xFFFF8000;
	(pc) =	sbr.rel @p0 .LBB2_1-.Ltmp3, $4  }
0x80: {  	[hbm4b:s7+s2] =	stream.linear.scatter [tilespmem:s19], [sflag:$0x2], $0x2000, $0x38;
	[tilespmem:$0x12200] =	vst v63  }
0x81: {  	_ =	swait.ge [sflag:s9], $0x2000  }
0x82: {  	[sflag:s9] =	ssyncset.done $0x0  }
0x83: {  	[sflag:s9] =	ssyncadd.s32 $0xFFFFE000  }
0x84: {  	_ =	sfence.sel $0x180000  }
0x85: {  	[bflag:$0x0] =	sbarrier.arrive $0xFFFF  }
0x86: {  	p0 =	sne.s32 s0, $0x0;
	_ =	strace $0x90000047  }
0x87: {  	s0 =	sadd.s32 @!p0 $0x100000, s1;
	[bflag:$0x2] =	sbarrier.arrive $0xFFFF  }
0x88: {  	[sflag:s0] =	ssyncadd.tile.s32 @!p0 $0x1;
	_ =	shalt  }
.Lfunc_end2:
_tile_overlayer_lowered:
.L_overlay_start_2:
0x89: {  	(tag) =	ssettag $0x2  }
0x8a: {  	s0 =	rddreg [dreg:$0x0];
	s2 =	stileid.u32  }
0x8b: {  	s1 =	rddreg [dreg:$0x1];
	p0 =	sne.s32 s2, $0x0  }
0x8c: {  	s3 =	rddreg [dreg:$0x2];
	[bflag:$0x3] =	sbarrier.arrive $0xFFFF;
	s2 =	simm.s32 @!p0 $0x1C02  }
0x8d: {  	[timem:s3], [sflag:s2] =	dma.local @!p0 [hbm:s0], s1  }
0x8e: {  	s0 =	simm.s32 @!p0 $0x2  }
0x8f: {  	_ =	swait.ge @!p0 [sflag:s0], s1  }
0x90: {  	s1 =	ssub.s32 @!p0 $0x0, s1;
	[sflag:s0] =	ssyncset.done @!p0 $0x0  }
0x91: {  	[sflag:s0] =	ssyncadd.s32 @!p0 s1  }
0x92: {  	[bflag:$0x3] =	sbarrier.arrive $0xFFFF  }
0x93: {  	_ =	shalt  }

</sc_bundles>
